<compile_context>
chip_gen: v7x
topology: tpu7x:2x2x1
jax: 0.10.2.dev20260603
libtpu: 0.0.44.dev20260713+nightly
codegen_flags: <defaults>
</compile_context>

<pallas_src>
import functools

import jax
import jax.numpy as jnp
from jax import lax
from jax.experimental import pallas as pl
from jax.experimental.pallas import tpu as pltpu
from jax.experimental.pallas import tpu_sc as plsc

_B = 512
_D = 64
_H = 128
_MAXN = 512
_TOTAL = _B * (_B - 1) // 2

_TOK_BLK = 256
_N_BLK = _TOTAL // _TOK_BLK

_CHUNK = 128
_NCHUNK = _TOTAL // _CHUNK
_NWORKER = 32


def _mish(v):
    return v * jnp.tanh(jnp.logaddexp(v, 0.0))


def _ln(v, g, b):
    m = jnp.mean(v, axis=-1, keepdims=True)
    var = jnp.var(v, axis=-1, keepdims=True)
    return (v - m) / jnp.sqrt(var + 1e-5) * g + b



def _feat_body(x_ref, wrt_ref, br_ref, v1t_ref, vb1_ref, gv_ref, bv_ref,
               v2t_ref, vb2_ref, mag_ref, mx_ref, vf_ref):
    xb = x_ref[...]
    m = jnp.dot(xb, wrt_ref[...]) + br_ref[0, 0]
    mag_ref[...] = m
    bm = jnp.max(m, axis=0, keepdims=True)
    i = pl.program_id(0)

    @pl.when(i == 0)
    def _():
        mx_ref[...] = bm

    @pl.when(i > 0)
    def _():
        mx_ref[...] = jnp.maximum(mx_ref[...], bm)

    h = jnp.dot(xb, v1t_ref[...]) + vb1_ref[...]
    h = _mish(_ln(h, gv_ref[...], bv_ref[...]))
    vf_ref[...] = jnp.dot(h, v2t_ref[...]) + vb2_ref[...]


def _features(x, W_rank, b_rank, V1, vb1, gv, bv, V2, vb2):
    full = lambda i: (0, 0)
    return pl.pallas_call(
        _feat_body,
        grid=(_N_BLK,),
        in_specs=[
            pl.BlockSpec((_TOK_BLK, _D), lambda i: (i, 0)),
            pl.BlockSpec((_D, 1), full),
            pl.BlockSpec((1, 1), full),
            pl.BlockSpec((_D, 96), full),
            pl.BlockSpec((1, 96), full),
            pl.BlockSpec((1, 96), full),
            pl.BlockSpec((1, 96), full),
            pl.BlockSpec((96, _H), full),
            pl.BlockSpec((1, _H), full),
        ],
        out_specs=[
            pl.BlockSpec((_TOK_BLK, 1), lambda i: (i, 0)),
            pl.BlockSpec((1, 1), full),
            pl.BlockSpec((_TOK_BLK, _H), lambda i: (i, 0)),
        ],
        out_shape=[
            jax.ShapeDtypeStruct((_TOTAL, 1), jnp.float32),
            jax.ShapeDtypeStruct((1, 1), jnp.float32),
            jax.ShapeDtypeStruct((_TOTAL, _H), jnp.float32),
        ],
    )(x, W_rank.T, b_rank.reshape(1, 1), V1.T, vb1.reshape(1, -1),
      gv.reshape(1, -1), bv.reshape(1, -1), V2.T, vb2.reshape(1, -1))



def _kf_body(w1t_ref, b1_ref, g1_ref, be1_ref, w2t_ref, b2_ref, out_ref):
    h = w1t_ref[...] + b1_ref[...]
    h = _mish(_ln(h, g1_ref[...], be1_ref[...]))
    out_ref[...] = jnp.dot(h, w2t_ref[...]) + b2_ref[...]


def _kf_table(W1, b1, g1, be1, W2, b2):
    return pl.pallas_call(
        _kf_body,
        out_shape=jax.ShapeDtypeStruct((_MAXN, _H), jnp.float32),
    )(W1.T, b1.reshape(1, -1), g1.reshape(1, -1), be1.reshape(1, -1),
      W2.T, b2.reshape(1, -1))



def _sc_body(vf_hbm, kf_hbm, perm_hbm, key_hbm, batch_hbm, out_hbm,
             pidx, kidx, bidx, vrows, krows, zstage, zacc, sem1, sem2):
    c = lax.axis_index("c")
    s = lax.axis_index("s")
    wid = s * 2 + c

    def _zrow(r, _):
        for j in range(8):
            zstage[r, pl.ds(j * 16, 16)] = jnp.zeros((16,), jnp.float32)
        return 0

    lax.fori_loop(0, 64, _zrow, 0)

    @pl.when(s == 0)
    def _():
        for k in range(8):
            pltpu.sync_copy(zstage, zacc.at[pl.ds(k * 64, 64)])

    plsc.subcore_barrier()

    nw = (_NCHUNK - wid + _NWORKER - 1) // _NWORKER

    def _chunk(t, _):
        base = (wid + t * _NWORKER) * _CHUNK
        pltpu.sync_copy(perm_hbm.at[pl.ds(base, _CHUNK)], pidx)
        pltpu.sync_copy(key_hbm.at[pl.ds(base, _CHUNK)], kidx)
        pltpu.sync_copy(batch_hbm.at[pl.ds(base, _CHUNK)], bidx)
        cp1 = pltpu.async_copy(vf_hbm.at[pidx], vrows, sem1)
        cp2 = pltpu.async_copy(kf_hbm.at[kidx], krows, sem2)
        cp1.wait()
        cp2.wait()

        def _mul(r, _):
            for j in range(8):
                sl = pl.ds(j * 16, 16)
                vrows[r, sl] = vrows[r, sl] * krows[r, sl]
            return 0

        lax.fori_loop(0, _CHUNK, _mul, 0)
        pltpu.sync_copy(vrows, zacc.at[bidx], add=True)
        return 0

    lax.fori_loop(0, nw, _chunk, 0)
    plsc.subcore_barrier()
    rows = _B // 16
    pltpu.sync_copy(zacc.at[pl.ds(s * rows, rows)],
                    out_hbm.at[c, pl.ds(s * rows, rows)])


def _sc_combine(vf, kf, perm, keys, batch):
    mesh = plsc.VectorSubcoreMesh(core_axis_name="c", subcore_axis_name="s")
    f = functools.partial(
        pl.kernel,
        out_type=jax.ShapeDtypeStruct((2, _B, _H), jnp.float32),
        mesh=mesh,
        scratch_types=[
            pltpu.VMEM((_CHUNK,), jnp.int32),
            pltpu.VMEM((_CHUNK,), jnp.int32),
            pltpu.VMEM((_CHUNK,), jnp.int32),
            pltpu.VMEM((_CHUNK, _H), jnp.float32),
            pltpu.VMEM((_CHUNK, _H), jnp.float32),
            pltpu.VMEM((64, _H), jnp.float32),
            pltpu.VMEM_SHARED((_B, _H), jnp.float32),
            pltpu.SemaphoreType.DMA,
            pltpu.SemaphoreType.DMA,
        ],
    )(_sc_body)
    return f(vf, kf, perm, keys, batch)



_NSORT = 131072
_SROWS = 1024
_SCOLS = 128


def _sort_stages():
    st = []
    k = 2
    while k <= _NSORT:
        jj = k // 2
        while jj >= 1:
            msel = max(jj // _SROWS, 1).bit_length() - 1
            st.append((k, jj, msel))
            jj //= 2
        k *= 2
    return st

_STAGES = _sort_stages()
_NSTAGE = len(_STAGES)


def _sort_body(karr_ref, jjarr_ref, msel_ref, keyin_ref, p_ref, out_ref,
               xk, xi, yk, yi):
    t = pl.program_id(0)
    iota_r = lax.broadcasted_iota(jnp.int32, (_SROWS, _SCOLS), 0)
    iota_c = lax.broadcasted_iota(jnp.int32, (_SROWS, _SCOLS), 1)

    @pl.when(t == 0)
    def _():
        xk[...] = keyin_ref[...]
        xi[...] = (iota_r * _SCOLS + iota_c).astype(jnp.float32)

    k_s = karr_ref[t]
    jj_s = jjarr_ref[t]
    msel = msel_ref[t]

    for m in (1, 2, 4, 8, 16, 32, 64, 128, 256, 512):
        @pl.when(jj_s == m)
        def _(m=m):
            q = _SROWS // (2 * m)
            zk = xk[...].reshape(q, 2 * m, _SCOLS)
            zi = xi[...].reshape(q, 2 * m, _SCOLS)
            yk[...] = jnp.concatenate([zk[:, m:], zk[:, :m]], 1).reshape(
                _SROWS, _SCOLS)
            yi[...] = jnp.concatenate([zi[:, m:], zi[:, :m]], 1).reshape(
                _SROWS, _SCOLS)

    @pl.when(jj_s >= _SROWS)
    def _():
        P = p_ref[msel]
        yk[...] = jnp.dot(xk[...], P, preferred_element_type=jnp.float32,
                          precision=jax.lax.Precision.HIGHEST)
        yi[...] = jnp.dot(xi[...], P, preferred_element_type=jnp.float32,
                          precision=jax.lax.Precision.HIGHEST)

    ilog = iota_c * _SROWS + iota_r
    asc = (ilog & k_s) == 0
    low = (ilog & jj_s) == 0
    a_k = xk[...]
    a_i = xi[...]
    b_k = yk[...]
    b_i = yi[...]
    cmp = (a_k > b_k) | ((a_k == b_k) & (a_i > b_i))
    take = jnp.logical_not(jnp.logical_xor(
        jnp.logical_not(jnp.logical_xor(cmp, asc)), low))
    xk[...] = jnp.where(take, b_k, a_k)
    xi[...] = jnp.where(take, b_i, a_i)

    @pl.when(t == _NSTAGE - 1)
    def _():
        out_ref[...] = xi[...]


def _bitonic_argsort(new_mag):
    import numpy as np
    st = np.array(_STAGES, dtype=np.int32)
    karr = jnp.asarray(st[:, 0])
    jjarr = jnp.asarray(st[:, 1])
    msarr = jnp.asarray(st[:, 2])
    cols = np.arange(_SCOLS)
    pmats = jnp.asarray(np.stack(
        [np.eye(_SCOLS, dtype=np.float32)[cols ^ (1 << b)] for b in range(7)]))
    keyin = jnp.concatenate(
        [new_mag, jnp.full((_NSORT - _TOTAL,), 1e30, jnp.float32)]
    ).reshape(_SROWS, _SCOLS)
    full = lambda t, *_: (0, 0)
    out = pl.pallas_call(
        _sort_body,
        grid_spec=pltpu.PrefetchScalarGridSpec(
            num_scalar_prefetch=3,
            grid=(_NSTAGE,),
            in_specs=[
                pl.BlockSpec((_SROWS, _SCOLS), full),
                pl.BlockSpec((7, _SCOLS, _SCOLS), lambda t, *_: (0, 0, 0)),
            ],
            out_specs=pl.BlockSpec((_SROWS, _SCOLS), full),
            scratch_shapes=[
                pltpu.VMEM((_SROWS, _SCOLS), jnp.float32),
                pltpu.VMEM((_SROWS, _SCOLS), jnp.float32),
                pltpu.VMEM((_SROWS, _SCOLS), jnp.float32),
                pltpu.VMEM((_SROWS, _SCOLS), jnp.float32),
            ],
        ),
        out_shape=jax.ShapeDtypeStruct((_SROWS, _SCOLS), jnp.float32),
    )(karr, jjarr, msarr, keyin, pmats)
    return out.T.reshape(-1)[:_TOTAL].astype(jnp.int32)



def _epi_body(z0_ref, z1_ref, nf_ref, wc_ref, bc_ref, out_ref):
    out_ref[...] = (z0_ref[...] + z1_ref[...]
                    + nf_ref[...] * wc_ref[...] + bc_ref[...])


def _epilogue(zp, n, W_card, b_card):
    return pl.pallas_call(
        _epi_body,
        out_shape=jax.ShapeDtypeStruct((_B, _H), jnp.float32),
    )(zp[0], zp[1], n.astype(jnp.float32).reshape(_B, 1),
      W_card.reshape(1, _H), b_card.reshape(1, _H))



def kernel(x, n, W_rank, b_rank, W1, b1, g1, be1, W2, b2,
           V1, vb1, gv, bv, V2, vb2, W_card, b_card):
    total = x.shape[0]
    nb = n.shape[0]

    mag, mx, vf = _features(x, W_rank, b_rank, V1, vb1, gv, bv, V2, vb2)
    kf = _kf_table(W1, b1, g1, be1, W2, b2)

    batch = jnp.repeat(jnp.arange(nb), n, total_repeat_length=total)
    csum = jnp.cumsum(n)
    offsets = csum - n
    keys = (jnp.arange(total)
            - jnp.repeat(offsets, n, total_repeat_length=total)).astype(jnp.int32)

    max_mag = mx[0, 0] + 0.0001
    new_mag = mag[:, 0] + batch.astype(x.dtype) * max_mag
    perm = _bitonic_argsort(new_mag)

    zp = _sc_combine(vf, kf, perm, keys, batch.astype(jnp.int32))
    return _epilogue(zp, n, W_card, b_card)

# --- scband reference (transcript-rebuilt; emitter-appended) ---
"""Pipeline reference for scband-encoder-52871047414535 (READ-ONLY COPY).

The authoritative reference and input builder live on the scoring server;
editing this copy changes nothing except your own understanding.
"""

import jax, jax.numpy as jnp
import numpy as np

B = 512
D = 64
H = 128
MAXN = 512
TOTAL = B * (B - 1) // 2  # sum of arange(512) = 130816


def _mish(x):
    return x * jnp.tanh(jnp.logaddexp(x, 0.0))


def _ln(x, g, b):
    m = jnp.mean(x, axis=-1, keepdims=True)
    v = jnp.var(x, axis=-1, keepdims=True)
    return (x - m) / jnp.sqrt(v + 1e-5) * g + b


def setup_inputs(seed: int = 0) -> dict:
    key = jax.random.key(seed)
    ks = jax.random.split(key, 20)
    x = jax.random.normal(ks[0], (TOTAL, D), dtype=jnp.float32)
    n = jnp.arange(B, dtype=jnp.int32)
    # rank: Linear(D, 1)
    W_rank = jax.random.normal(ks[1], (1, D), dtype=jnp.float32) / np.sqrt(D)
    b_rank = jnp.zeros((1,), dtype=jnp.float32)
    # key_net MLP (layer sizes [512, 320, 128]): Linear(512,320), LN(320), Mish, Linear(320,128)
    W1 = jax.random.normal(ks[2], (320, MAXN), dtype=jnp.float32) / np.sqrt(MAXN)
    b1 = jnp.zeros((320,), dtype=jnp.float32)
    g1 = jnp.ones((320,), dtype=jnp.float32)
    be1 = jnp.zeros((320,), dtype=jnp.float32)
    W2 = jax.random.normal(ks[3], (H, 320), dtype=jnp.float32) / np.sqrt(320)
    b2 = jnp.zeros((H,), dtype=jnp.float32)
    # val_net MLP (layer sizes [64, 96, 128]): Linear(64,96), LN(96), Mish, Linear(96,128)
    V1 = jax.random.normal(ks[4], (96, D), dtype=jnp.float32) / np.sqrt(D)
    vb1 = jnp.zeros((96,), dtype=jnp.float32)
    gv = jnp.ones((96,), dtype=jnp.float32)
    bv = jnp.zeros((96,), dtype=jnp.float32)
    V2 = jax.random.normal(ks[5], (H, 96), dtype=jnp.float32) / np.sqrt(96)
    vb2 = jnp.zeros((H,), dtype=jnp.float32)
    # cardinality: Linear(1, H)
    W_card = jax.random.normal(ks[6], (H, 1), dtype=jnp.float32)
    b_card = jnp.zeros((H,), dtype=jnp.float32)
    return {"x": x, "n": n, "W_rank": W_rank, "b_rank": b_rank,
            "W1": W1, "b1": b1, "g1": g1, "be1": be1, "W2": W2, "b2": b2,
            "V1": V1, "vb1": vb1, "gv": gv, "bv": bv, "V2": V2, "vb2": vb2,
            "W_card": W_card, "b_card": b_card}


def reference(x, n, W_rank, b_rank, W1, b1, g1, be1, W2, b2,
              V1, vb1, gv, bv, V2, vb2, W_card, b_card):
    total = x.shape[0]
    nb = n.shape[0]
    # batch ids per token
    batch = jnp.repeat(jnp.arange(nb), n, total_repeat_length=total)
    # rank-based per-batch sort
    mag = x @ W_rank.T + b_rank                 # [total, 1]
    max_mag = jnp.max(mag) + 0.0001
    new_mag = mag[:, 0] + batch.astype(x.dtype) * max_mag
    idx_sorted = jnp.argsort(new_mag)
    xs = x[idx_sorted]                          # gather
    # per-set position keys: concat(arange(n_i))
    csum = jnp.cumsum(n)
    offsets = csum - n
    keys = jnp.arange(total) - jnp.repeat(offsets, n, total_repeat_length=total)
    # one-hot positional encoding (index_select into identity)
    pos = jax.nn.one_hot(keys, MAXN, dtype=x.dtype)  # [total, MAXN]
    # key_net and val_net MLPs
    kf = _mish(_ln(pos @ W1.T + b1, g1, be1)) @ W2.T + b2   # [total, H]
    vf = _mish(_ln(xs @ V1.T + vb1, gv, bv)) @ V2.T + vb2   # [total, H]
    y = vf * kf
    # scatter-reduce sum per batch
    z_elements = jax.ops.segment_sum(y, batch, num_segments=nb)
    n_enc = n.astype(x.dtype)[:, None] @ W_card.T + b_card
    z = z_elements + n_enc
    return z

if __name__ == "__main__":
    import jax
    _d = setup_inputs()
    print(jax.jit(kernel)(*tuple(_d.values())))

</pallas_src>

<mosaic_0001>
#map = affine_map<(d0, d1) -> (0, 0)>
#map1 = affine_map<(d0, d1) -> (0)>
#map2 = affine_map<(d0, d1) -> (0, 0, 0)>
module attributes {stable_mosaic.version = 14 : i64} {
  func.func @_sc_body(%arg0: i32, %arg1: i32, %arg2: memref<130816x128xf32, #tpu.memory_space<hbm>>, %arg3: memref<512x128xf32, #tpu.memory_space<hbm>>, %arg4: memref<130816xi32, #tpu.memory_space<hbm>>, %arg5: memref<130816xi32, #tpu.memory_space<hbm>>, %arg6: memref<130816xi32, #tpu.memory_space<hbm>>, %arg7: memref<2x512x128xf32, #tpu.memory_space<hbm>>, %arg8: memref<128xi32, #tpu.memory_space<vmem>>, %arg9: memref<128xi32, #tpu.memory_space<vmem>>, %arg10: memref<128xi32, #tpu.memory_space<vmem>>, %arg11: memref<128x128xf32, #tpu.memory_space<vmem>>, %arg12: memref<128x128xf32, #tpu.memory_space<vmem>>, %arg13: memref<64x128xf32, #tpu.memory_space<vmem>>, %arg14: memref<512x128xf32, #tpu.memory_space<vmem_shared>>, %arg15: memref<!tpu.dma_semaphore, #tpu.memory_space<semaphore_mem>>, %arg16: memref<!tpu.dma_semaphore, #tpu.memory_space<semaphore_mem>>) attributes {dimension_semantics = [#tpu.dimension_semantics<core_parallel>, #tpu.dimension_semantics<subcore_parallel>], iteration_bounds = array<i64: 2, 16>, scalar_prefetch = 0 : i64, scratch_operands = 9 : i64, tpu.core_type = #tpu.core_type<sc_vector_subcore>, window_params = [{transform_indices = #map}, {transform_indices = #map}, {transform_indices = #map1}, {transform_indices = #map1}, {transform_indices = #map1}, {transform_indices = #map2}]} {
    %mul3A = arith.constant 2 : i32
    %mul3A_0 = arith.muli %arg1, %mul3A : i32
    %add3A = arith.addi %mul3A_0, %arg0 : i32
    %scan3A = arith.constant 0 : i32
    %scan3A_1 = arith.constant 0 : i32
    %scan3A_2 = arith.constant 64 : i32
    %scan3A_3 = arith.addi %scan3A_1, %scan3A_2 : i32
    %scan3A_4 = arith.constant 1 : i32
    %scan3A_5 = scf.for %scan3A_47 = %scan3A_1 to %scan3A_3 step %scan3A_4 iter_args(%scan3A_48 = %scan3A) -> (i32)  : i32 {
      %broadcast_in_dim3A = arith.constant 0.000000e+00 : f32
      %broadcast_in_dim3A_49 = vector.broadcast %broadcast_in_dim3A : f32 to vector<16xf32>
      %swap3A = arith.index_cast %scan3A_47 : i32 to index
      %swap3A_50 = arith.constant 0 : index
      %swap3A_51 = tpu.vector_load %arg13[%swap3A, %swap3A_50] {strides = array<i32>} : memref<64x128xf32, #tpu.memory_space<vmem>>, vector<1x16xf32>,
      %swap3A_52 = vector.shape_cast %swap3A_51 : vector<1x16xf32> to vector<16xf32>
      %swap3A_53 = vector.shape_cast %broadcast_in_dim3A_49 : vector<16xf32> to vector<1x16xf32>
      tpu.vector_store %arg13[%swap3A, %swap3A_50], %swap3A_53 {strides = array<i32>} : memref<64x128xf32, #tpu.memory_space<vmem>>, vector<1x16xf32>,
      %broadcast_in_dim3A_54 = arith.constant 0.000000e+00 : f32
      %broadcast_in_dim3A_55 = vector.broadcast %broadcast_in_dim3A_54 : f32 to vector<16xf32>
      %swap3A_56 = arith.index_cast %scan3A_47 : i32 to index
      %swap3A_57 = arith.constant 16 : index
      %swap3A_58 = tpu.vector_load %arg13[%swap3A_56, %swap3A_57] {strides = array<i32>} : memref<64x128xf32, #tpu.memory_space<vmem>>, vector<1x16xf32>,
      %swap3A_59 = vector.shape_cast %swap3A_58 : vector<1x16xf32> to vector<16xf32>
      %swap3A_60 = vector.shape_cast %broadcast_in_dim3A_55 : vector<16xf32> to vector<1x16xf32>
      tpu.vector_store %arg13[%swap3A_56, %swap3A_57], %swap3A_60 {strides = array<i32>} : memref<64x128xf32, #tpu.memory_space<vmem>>, vector<1x16xf32>,
      %broadcast_in_dim3A_61 = arith.constant 0.000000e+00 : f32
      %broadcast_in_dim3A_62 = vector.broadcast %broadcast_in_dim3A_61 : f32 to vector<16xf32>
      %swap3A_63 = arith.index_cast %scan3A_47 : i32 to index
      %swap3A_64 = arith.constant 32 : index
      %swap3A_65 = tpu.vector_load %arg13[%swap3A_63, %swap3A_64] {strides = array<i32>} : memref<64x128xf32, #tpu.memory_space<vmem>>, vector<1x16xf32>,
      %swap3A_66 = vector.shape_cast %swap3A_65 : vector<1x16xf32> to vector<16xf32>
      %swap3A_67 = vector.shape_cast %broadcast_in_dim3A_62 : vector<16xf32> to vector<1x16xf32>
      tpu.vector_store %arg13[%swap3A_63, %swap3A_64], %swap3A_67 {strides = array<i32>} : memref<64x128xf32, #tpu.memory_space<vmem>>, vector<1x16xf32>,
      %broadcast_in_dim3A_68 = arith.constant 0.000000e+00 : f32
      %broadcast_in_dim3A_69 = vector.broadcast %broadcast_in_dim3A_68 : f32 to vector<16xf32>
      %swap3A_70 = arith.index_cast %scan3A_47 : i32 to index
      %swap3A_71 = arith.constant 48 : index
      %swap3A_72 = tpu.vector_load %arg13[%swap3A_70, %swap3A_71] {strides = array<i32>} : memref<64x128xf32, #tpu.memory_space<vmem>>, vector<1x16xf32>,
      %swap3A_73 = vector.shape_cast %swap3A_72 : vector<1x16xf32> to vector<16xf32>
      %swap3A_74 = vector.shape_cast %broadcast_in_dim3A_69 : vector<16xf32> to vector<1x16xf32>
      tpu.vector_store %arg13[%swap3A_70, %swap3A_71], %swap3A_74 {strides = array<i32>} : memref<64x128xf32, #tpu.memory_space<vmem>>, vector<1x16xf32>,
      %broadcast_in_dim3A_75 = arith.constant 0.000000e+00 : f32
      %broadcast_in_dim3A_76 = vector.broadcast %broadcast_in_dim3A_75 : f32 to vector<16xf32>
      %swap3A_77 = arith.index_cast %scan3A_47 : i32 to index
      %swap3A_78 = arith.constant 64 : index
      %swap3A_79 = tpu.vector_load %arg13[%swap3A_77, %swap3A_78] {strides = array<i32>} : memref<64x128xf32, #tpu.memory_space<vmem>>, vector<1x16xf32>,
      %swap3A_80 = vector.shape_cast %swap3A_79 : vector<1x16xf32> to vector<16xf32>
      %swap3A_81 = vector.shape_cast %broadcast_in_dim3A_76 : vector<16xf32> to vector<1x16xf32>
      tpu.vector_store %arg13[%swap3A_77, %swap3A_78], %swap3A_81 {strides = array<i32>} : memref<64x128xf32, #tpu.memory_space<vmem>>, vector<1x16xf32>,
      %broadcast_in_dim3A_82 = arith.constant 0.000000e+00 : f32
      %broadcast_in_dim3A_83 = vector.broadcast %broadcast_in_dim3A_82 : f32 to vector<16xf32>
      %swap3A_84 = arith.index_cast %scan3A_47 : i32 to index
      %swap3A_85 = arith.constant 80 : index
      %swap3A_86 = tpu.vector_load %arg13[%swap3A_84, %swap3A_85] {strides = array<i32>} : memref<64x128xf32, #tpu.memory_space<vmem>>, vector<1x16xf32>,
      %swap3A_87 = vector.shape_cast %swap3A_86 : vector<1x16xf32> to vector<16xf32>
      %swap3A_88 = vector.shape_cast %broadcast_in_dim3A_83 : vector<16xf32> to vector<1x16xf32>
      tpu.vector_store %arg13[%swap3A_84, %swap3A_85], %swap3A_88 {strides = array<i32>} : memref<64x128xf32, #tpu.memory_space<vmem>>, vector<1x16xf32>,
      %broadcast_in_dim3A_89 = arith.constant 0.000000e+00 : f32
      %broadcast_in_dim3A_90 = vector.broadcast %broadcast_in_dim3A_89 : f32 to vector<16xf32>
      %swap3A_91 = arith.index_cast %scan3A_47 : i32 to index
      %swap3A_92 = arith.constant 96 : index
      %swap3A_93 = tpu.vector_load %arg13[%swap3A_91, %swap3A_92] {strides = array<i32>} : memref<64x128xf32, #tpu.memory_space<vmem>>, vector<1x16xf32>,
      %swap3A_94 = vector.shape_cast %swap3A_93 : vector<1x16xf32> to vector<16xf32>
      %swap3A_95 = vector.shape_cast %broadcast_in_dim3A_90 : vector<16xf32> to vector<1x16xf32>
      tpu.vector_store %arg13[%swap3A_91, %swap3A_92], %swap3A_95 {strides = array<i32>} : memref<64x128xf32, #tpu.memory_space<vmem>>, vector<1x16xf32>,
      %broadcast_in_dim3A_96 = arith.constant 0.000000e+00 : f32
      %broadcast_in_dim3A_97 = vector.broadcast %broadcast_in_dim3A_96 : f32 to vector<16xf32>
      %swap3A_98 = arith.index_cast %scan3A_47 : i32 to index
      %swap3A_99 = arith.constant 112 : index
      %swap3A_100 = tpu.vector_load %arg13[%swap3A_98, %swap3A_99] {strides = array<i32>} : memref<64x128xf32, #tpu.memory_space<vmem>>, vector<1x16xf32>,
      %swap3A_101 = vector.shape_cast %swap3A_100 : vector<1x16xf32> to vector<16xf32>
      %swap3A_102 = vector.shape_cast %broadcast_in_dim3A_97 : vector<16xf32> to vector<1x16xf32>
      tpu.vector_store %arg13[%swap3A_98, %swap3A_99], %swap3A_102 {strides = array<i32>} : memref<64x128xf32, #tpu.memory_space<vmem>>, vector<1x16xf32>,
      %scan3A_103 = arith.constant 0 : i32
      scf.yield %scan3A_103 : i32
    }
    %scan3A_6 = arith.constant 64 : i32
    %eq3A = arith.constant 0 : i32
    %eq3A_7 = arith.cmpi eq, %arg1, %eq3A : i32
    %convert_element_type3A = arith.extui %eq3A_7 : i1 to i32
    %cond3A = arith.constant 0 : i32
    %cond3A_8 = arith.cmpi ne, %convert_element_type3A, %cond3A : i32
    scf.if %cond3A_8 {
      "tpu.region"() ({
        %run_scoped3A = tpu.sem_alloc : memref<!tpu.dma_semaphore, #tpu.memory_space<semaphore_mem>>
        %dma_start3A = arith.constant 0 : i32
        %dma_start3A_47 = arith.constant 0 : i32
        %dma_start3A_48 = tpu.memref_slice %arg14[%dma_start3A, %dma_start3A_47] : memref<512x128xf32, #tpu.memory_space<vmem_shared>> -> memref<64x128xf32, #tpu.memory_space<vmem_shared>>
        %dma_start3A_49 = arith.constant 0 : i32
        %dma_start3A_50 = arith.constant 0 : i32
        %dma_start3A_51 = tpu.memref_slice %arg14[%dma_start3A_49, %dma_start3A_50] : memref<512x128xf32, #tpu.memory_space<vmem_shared>> -> memref<64x128xf32, #tpu.memory_space<vmem_shared>>
        tpu.enqueue_dma source(%arg13 : memref<64x128xf32, #tpu.memory_space<vmem>>) target(%dma_start3A_51 : memref<64x128xf32, #tpu.memory_space<vmem_shared>>) target_semaphore(%run_scoped3A : memref<!tpu.dma_semaphore, #tpu.memory_space<semaphore_mem>>)
        %dma_wait3A = arith.constant 0 : i32
        %dma_wait3A_52 = arith.constant 0 : i32
        %dma_wait3A_53 = tpu.memref_slice %arg14[%dma_wait3A, %dma_wait3A_52] : memref<512x128xf32, #tpu.memory_space<vmem_shared>> -> memref<64x128xf32, #tpu.memory_space<vmem_shared>>
        %dma_wait3A_54 = arith.constant 0 : i32
        %dma_wait3A_55 = arith.constant 0 : i32
        %dma_wait3A_56 = tpu.memref_slice %arg14[%dma_wait3A_54, %dma_wait3A_55] : memref<512x128xf32, #tpu.memory_space<vmem_shared>> -> memref<64x128xf32, #tpu.memory_space<vmem_shared>>
        tpu.wait_dma2 semaphore(%run_scoped3A : memref<!tpu.dma_semaphore, #tpu.memory_space<semaphore_mem>>) src(%arg13 : memref<64x128xf32, #tpu.memory_space<vmem>>) dst(%dma_wait3A_56 : memref<64x128xf32, #tpu.memory_space<vmem_shared>>)
        tpu.yield
      }) : () -> ()
      "tpu.region"() ({
        %run_scoped3A = tpu.sem_alloc : memref<!tpu.dma_semaphore, #tpu.memory_space<semaphore_mem>>
        %dma_start3A = arith.constant 64 : i32
        %dma_start3A_47 = arith.constant 0 : i32
        %dma_start3A_48 = tpu.memref_slice %arg14[%dma_start3A, %dma_start3A_47] : memref<512x128xf32, #tpu.memory_space<vmem_shared>> -> memref<64x128xf32, #tpu.memory_space<vmem_shared>>
        %dma_start3A_49 = arith.constant 64 : i32
        %dma_start3A_50 = arith.constant 0 : i32
        %dma_start3A_51 = tpu.memref_slice %arg14[%dma_start3A_49, %dma_start3A_50] : memref<512x128xf32, #tpu.memory_space<vmem_shared>> -> memref<64x128xf32, #tpu.memory_space<vmem_shared>>
        tpu.enqueue_dma source(%arg13 : memref<64x128xf32, #tpu.memory_space<vmem>>) target(%dma_start3A_51 : memref<64x128xf32, #tpu.memory_space<vmem_shared>>) target_semaphore(%run_scoped3A : memref<!tpu.dma_semaphore, #tpu.memory_space<semaphore_mem>>)
        %dma_wait3A = arith.constant 64 : i32
        %dma_wait3A_52 = arith.constant 0 : i32
        %dma_wait3A_53 = tpu.memref_slice %arg14[%dma_wait3A, %dma_wait3A_52] : memref<512x128xf32, #tpu.memory_space<vmem_shared>> -> memref<64x128xf32, #tpu.memory_space<vmem_shared>>
        %dma_wait3A_54 = arith.constant 64 : i32
        %dma_wait3A_55 = arith.constant 0 : i32
        %dma_wait3A_56 = tpu.memref_slice %arg14[%dma_wait3A_54, %dma_wait3A_55] : memref<512x128xf32, #tpu.memory_space<vmem_shared>> -> memref<64x128xf32, #tpu.memory_space<vmem_shared>>
        tpu.wait_dma2 semaphore(%run_scoped3A : memref<!tpu.dma_semaphore, #tpu.memory_space<semaphore_mem>>) src(%arg13 : memref<64x128xf32, #tpu.memory_space<vmem>>) dst(%dma_wait3A_56 : memref<64x128xf32, #tpu.memory_space<vmem_shared>>)
        tpu.yield
      }) : () -> ()
      "tpu.region"() ({
        %run_scoped3A = tpu.sem_alloc : memref<!tpu.dma_semaphore, #tpu.memory_space<semaphore_mem>>
        %dma_start3A = arith.constant 128 : i32
        %dma_start3A_47 = arith.constant 0 : i32
        %dma_start3A_48 = tpu.memref_slice %arg14[%dma_start3A, %dma_start3A_47] : memref<512x128xf32, #tpu.memory_space<vmem_shared>> -> memref<64x128xf32, #tpu.memory_space<vmem_shared>>
        %dma_start3A_49 = arith.constant 128 : i32
        %dma_start3A_50 = arith.constant 0 : i32
        %dma_start3A_51 = tpu.memref_slice %arg14[%dma_start3A_49, %dma_start3A_50] : memref<512x128xf32, #tpu.memory_space<vmem_shared>> -> memref<64x128xf32, #tpu.memory_space<vmem_shared>>
        tpu.enqueue_dma source(%arg13 : memref<64x128xf32, #tpu.memory_space<vmem>>) target(%dma_start3A_51 : memref<64x128xf32, #tpu.memory_space<vmem_shared>>) target_semaphore(%run_scoped3A : memref<!tpu.dma_semaphore, #tpu.memory_space<semaphore_mem>>)
        %dma_wait3A = arith.constant 128 : i32
        %dma_wait3A_52 = arith.constant 0 : i32
        %dma_wait3A_53 = tpu.memref_slice %arg14[%dma_wait3A, %dma_wait3A_52] : memref<512x128xf32, #tpu.memory_space<vmem_shared>> -> memref<64x128xf32, #tpu.memory_space<vmem_shared>>
        %dma_wait3A_54 = arith.constant 128 : i32
        %dma_wait3A_55 = arith.constant 0 : i32
        %dma_wait3A_56 = tpu.memref_slice %arg14[%dma_wait3A_54, %dma_wait3A_55] : memref<512x128xf32, #tpu.memory_space<vmem_shared>> -> memref<64x128xf32, #tpu.memory_space<vmem_shared>>
        tpu.wait_dma2 semaphore(%run_scoped3A : memref<!tpu.dma_semaphore, #tpu.memory_space<semaphore_mem>>) src(%arg13 : memref<64x128xf32, #tpu.memory_space<vmem>>) dst(%dma_wait3A_56 : memref<64x128xf32, #tpu.memory_space<vmem_shared>>)
        tpu.yield
      }) : () -> ()
      "tpu.region"() ({
        %run_scoped3A = tpu.sem_alloc : memref<!tpu.dma_semaphore, #tpu.memory_space<semaphore_mem>>
        %dma_start3A = arith.constant 192 : i32
        %dma_start3A_47 = arith.constant 0 : i32
        %dma_start3A_48 = tpu.memref_slice %arg14[%dma_start3A, %dma_start3A_47] : memref<512x128xf32, #tpu.memory_space<vmem_shared>> -> memref<64x128xf32, #tpu.memory_space<vmem_shared>>
        %dma_start3A_49 = arith.constant 192 : i32
        %dma_start3A_50 = arith.constant 0 : i32
        %dma_start3A_51 = tpu.memref_slice %arg14[%dma_start3A_49, %dma_start3A_50] : memref<512x128xf32, #tpu.memory_space<vmem_shared>> -> memref<64x128xf32, #tpu.memory_space<vmem_shared>>
        tpu.enqueue_dma source(%arg13 : memref<64x128xf32, #tpu.memory_space<vmem>>) target(%dma_start3A_51 : memref<64x128xf32, #tpu.memory_space<vmem_shared>>) target_semaphore(%run_scoped3A : memref<!tpu.dma_semaphore, #tpu.memory_space<semaphore_mem>>)
        %dma_wait3A = arith.constant 192 : i32
        %dma_wait3A_52 = arith.constant 0 : i32
        %dma_wait3A_53 = tpu.memref_slice %arg14[%dma_wait3A, %dma_wait3A_52] : memref<512x128xf32, #tpu.memory_space<vmem_shared>> -> memref<64x128xf32, #tpu.memory_space<vmem_shared>>
        %dma_wait3A_54 = arith.constant 192 : i32
        %dma_wait3A_55 = arith.constant 0 : i32
        %dma_wait3A_56 = tpu.memref_slice %arg14[%dma_wait3A_54, %dma_wait3A_55] : memref<512x128xf32, #tpu.memory_space<vmem_shared>> -> memref<64x128xf32, #tpu.memory_space<vmem_shared>>
        tpu.wait_dma2 semaphore(%run_scoped3A : memref<!tpu.dma_semaphore, #tpu.memory_space<semaphore_mem>>) src(%arg13 : memref<64x128xf32, #tpu.memory_space<vmem>>) dst(%dma_wait3A_56 : memref<64x128xf32, #tpu.memory_space<vmem_shared>>)
        tpu.yield
      }) : () -> ()
      "tpu.region"() ({
        %run_scoped3A = tpu.sem_alloc : memref<!tpu.dma_semaphore, #tpu.memory_space<semaphore_mem>>
        %dma_start3A = arith.constant 256 : i32
        %dma_start3A_47 = arith.constant 0 : i32
        %dma_start3A_48 = tpu.memref_slice %arg14[%dma_start3A, %dma_start3A_47] : memref<512x128xf32, #tpu.memory_space<vmem_shared>> -> memref<64x128xf32, #tpu.memory_space<vmem_shared>>
        %dma_start3A_49 = arith.constant 256 : i32
        %dma_start3A_50 = arith.constant 0 : i32
        %dma_start3A_51 = tpu.memref_slice %arg14[%dma_start3A_49, %dma_start3A_50] : memref<512x128xf32, #tpu.memory_space<vmem_shared>> -> memref<64x128xf32, #tpu.memory_space<vmem_shared>>
        tpu.enqueue_dma source(%arg13 : memref<64x128xf32, #tpu.memory_space<vmem>>) target(%dma_start3A_51 : memref<64x128xf32, #tpu.memory_space<vmem_shared>>) target_semaphore(%run_scoped3A : memref<!tpu.dma_semaphore, #tpu.memory_space<semaphore_mem>>)
        %dma_wait3A = arith.constant 256 : i32
        %dma_wait3A_52 = arith.constant 0 : i32
        %dma_wait3A_53 = tpu.memref_slice %arg14[%dma_wait3A, %dma_wait3A_52] : memref<512x128xf32, #tpu.memory_space<vmem_shared>> -> memref<64x128xf32, #tpu.memory_space<vmem_shared>>
        %dma_wait3A_54 = arith.constant 256 : i32
        %dma_wait3A_55 = arith.constant 0 : i32
        %dma_wait3A_56 = tpu.memref_slice %arg14[%dma_wait3A_54, %dma_wait3A_55] : memref<512x128xf32, #tpu.memory_space<vmem_shared>> -> memref<64x128xf32, #tpu.memory_space<vmem_shared>>
        tpu.wait_dma2 semaphore(%run_scoped3A : memref<!tpu.dma_semaphore, #tpu.memory_space<semaphore_mem>>) src(%arg13 : memref<64x128xf32, #tpu.memory_space<vmem>>) dst(%dma_wait3A_56 : memref<64x128xf32, #tpu.memory_space<vmem_shared>>)
        tpu.yield
      }) : () -> ()
      "tpu.region"() ({
        %run_scoped3A = tpu.sem_alloc : memref<!tpu.dma_semaphore, #tpu.memory_space<semaphore_mem>>
        %dma_start3A = arith.constant 320 : i32
        %dma_start3A_47 = arith.constant 0 : i32
        %dma_start3A_48 = tpu.memref_slice %arg14[%dma_start3A, %dma_start3A_47] : memref<512x128xf32, #tpu.memory_space<vmem_shared>> -> memref<64x128xf32, #tpu.memory_space<vmem_shared>>
        %dma_start3A_49 = arith.constant 320 : i32
        %dma_start3A_50 = arith.constant 0 : i32
        %dma_start3A_51 = tpu.memref_slice %arg14[%dma_start3A_49, %dma_start3A_50] : memref<512x128xf32, #tpu.memory_space<vmem_shared>> -> memref<64x128xf32, #tpu.memory_space<vmem_shared>>
        tpu.enqueue_dma source(%arg13 : memref<64x128xf32, #tpu.memory_space<vmem>>) target(%dma_start3A_51 : memref<64x128xf32, #tpu.memory_space<vmem_shared>>) target_semaphore(%run_scoped3A : memref<!tpu.dma_semaphore, #tpu.memory_space<semaphore_mem>>)
        %dma_wait3A = arith.constant 320 : i32
        %dma_wait3A_52 = arith.constant 0 : i32
        %dma_wait3A_53 = tpu.memref_slice %arg14[%dma_wait3A, %dma_wait3A_52] : memref<512x128xf32, #tpu.memory_space<vmem_shared>> -> memref<64x128xf32, #tpu.memory_space<vmem_shared>>
        %dma_wait3A_54 = arith.constant 320 : i32
        %dma_wait3A_55 = arith.constant 0 : i32
        %dma_wait3A_56 = tpu.memref_slice %arg14[%dma_wait3A_54, %dma_wait3A_55] : memref<512x128xf32, #tpu.memory_space<vmem_shared>> -> memref<64x128xf32, #tpu.memory_space<vmem_shared>>
        tpu.wait_dma2 semaphore(%run_scoped3A : memref<!tpu.dma_semaphore, #tpu.memory_space<semaphore_mem>>) src(%arg13 : memref<64x128xf32, #tpu.memory_space<vmem>>) dst(%dma_wait3A_56 : memref<64x128xf32, #tpu.memory_space<vmem_shared>>)
        tpu.yield
      }) : () -> ()
      "tpu.region"() ({
        %run_scoped3A = tpu.sem_alloc : memref<!tpu.dma_semaphore, #tpu.memory_space<semaphore_mem>>
        %dma_start3A = arith.constant 384 : i32
        %dma_start3A_47 = arith.constant 0 : i32
        %dma_start3A_48 = tpu.memref_slice %arg14[%dma_start3A, %dma_start3A_47] : memref<512x128xf32, #tpu.memory_space<vmem_shared>> -> memref<64x128xf32, #tpu.memory_space<vmem_shared>>
        %dma_start3A_49 = arith.constant 384 : i32
        %dma_start3A_50 = arith.constant 0 : i32
        %dma_start3A_51 = tpu.memref_slice %arg14[%dma_start3A_49, %dma_start3A_50] : memref<512x128xf32, #tpu.memory_space<vmem_shared>> -> memref<64x128xf32, #tpu.memory_space<vmem_shared>>
        tpu.enqueue_dma source(%arg13 : memref<64x128xf32, #tpu.memory_space<vmem>>) target(%dma_start3A_51 : memref<64x128xf32, #tpu.memory_space<vmem_shared>>) target_semaphore(%run_scoped3A : memref<!tpu.dma_semaphore, #tpu.memory_space<semaphore_mem>>)
        %dma_wait3A = arith.constant 384 : i32
        %dma_wait3A_52 = arith.constant 0 : i32
        %dma_wait3A_53 = tpu.memref_slice %arg14[%dma_wait3A, %dma_wait3A_52] : memref<512x128xf32, #tpu.memory_space<vmem_shared>> -> memref<64x128xf32, #tpu.memory_space<vmem_shared>>
        %dma_wait3A_54 = arith.constant 384 : i32
        %dma_wait3A_55 = arith.constant 0 : i32
        %dma_wait3A_56 = tpu.memref_slice %arg14[%dma_wait3A_54, %dma_wait3A_55] : memref<512x128xf32, #tpu.memory_space<vmem_shared>> -> memref<64x128xf32, #tpu.memory_space<vmem_shared>>
        tpu.wait_dma2 semaphore(%run_scoped3A : memref<!tpu.dma_semaphore, #tpu.memory_space<semaphore_mem>>) src(%arg13 : memref<64x128xf32, #tpu.memory_space<vmem>>) dst(%dma_wait3A_56 : memref<64x128xf32, #tpu.memory_space<vmem_shared>>)
        tpu.yield
      }) : () -> ()
      "tpu.region"() ({
        %run_scoped3A = tpu.sem_alloc : memref<!tpu.dma_semaphore, #tpu.memory_space<semaphore_mem>>
        %dma_start3A = arith.constant 448 : i32
        %dma_start3A_47 = arith.constant 0 : i32
        %dma_start3A_48 = tpu.memref_slice %arg14[%dma_start3A, %dma_start3A_47] : memref<512x128xf32, #tpu.memory_space<vmem_shared>> -> memref<64x128xf32, #tpu.memory_space<vmem_shared>>
        %dma_start3A_49 = arith.constant 448 : i32
        %dma_start3A_50 = arith.constant 0 : i32
        %dma_start3A_51 = tpu.memref_slice %arg14[%dma_start3A_49, %dma_start3A_50] : memref<512x128xf32, #tpu.memory_space<vmem_shared>> -> memref<64x128xf32, #tpu.memory_space<vmem_shared>>
        tpu.enqueue_dma source(%arg13 : memref<64x128xf32, #tpu.memory_space<vmem>>) target(%dma_start3A_51 : memref<64x128xf32, #tpu.memory_space<vmem_shared>>) target_semaphore(%run_scoped3A : memref<!tpu.dma_semaphore, #tpu.memory_space<semaphore_mem>>)
        %dma_wait3A = arith.constant 448 : i32
        %dma_wait3A_52 = arith.constant 0 : i32
        %dma_wait3A_53 = tpu.memref_slice %arg14[%dma_wait3A, %dma_wait3A_52] : memref<512x128xf32, #tpu.memory_space<vmem_shared>> -> memref<64x128xf32, #tpu.memory_space<vmem_shared>>
        %dma_wait3A_54 = arith.constant 448 : i32
        %dma_wait3A_55 = arith.constant 0 : i32
        %dma_wait3A_56 = tpu.memref_slice %arg14[%dma_wait3A_54, %dma_wait3A_55] : memref<512x128xf32, #tpu.memory_space<vmem_shared>> -> memref<64x128xf32, #tpu.memory_space<vmem_shared>>
        tpu.wait_dma2 semaphore(%run_scoped3A : memref<!tpu.dma_semaphore, #tpu.memory_space<semaphore_mem>>) src(%arg13 : memref<64x128xf32, #tpu.memory_space<vmem>>) dst(%dma_wait3A_56 : memref<64x128xf32, #tpu.memory_space<vmem_shared>>)
        tpu.yield
      }) : () -> ()
    } else {
    }
    %barrier3A = arith.constant 0 : index
    tpu.barrier barrier_id(%barrier3A)
    %sub3A = arith.constant 1022 : i32
    %sub3A_9 = arith.subi %sub3A, %add3A : i32
    %add3A_10 = arith.constant 32 : i32
    %add3A_11 = arith.addi %sub3A_9, %add3A_10 : i32
    %sub3A_12 = arith.constant 1 : i32
    %sub3A_13 = arith.subi %add3A_11, %sub3A_12 : i32
    %jit3A = arith.constant 32 : i32
    %div3A = arith.divsi %sub3A_13, %jit3A : i32
    %sign3A = arith.constant 0 : i32
    %sign3A_14 = arith.cmpi sgt, %sub3A_13, %sign3A : i32
    %sign3A_15 = arith.extui %sign3A_14 : i1 to i32
    %sign3A_16 = arith.constant 0 : i32
    %sign3A_17 = arith.cmpi slt, %sub3A_13, %sign3A_16 : i32
    %sign3A_18 = arith.extui %sign3A_17 : i1 to i32
    %sign3A_19 = arith.subi %sign3A_15, %sign3A_18 : i32
    %sign3A_20 = arith.constant 0 : i32
    %sign3A_21 = arith.cmpi sgt, %jit3A, %sign3A_20 : i32
    %sign3A_22 = arith.extui %sign3A_21 : i1 to i32
    %sign3A_23 = arith.constant 0 : i32
    %sign3A_24 = arith.cmpi slt, %jit3A, %sign3A_23 : i32
    %sign3A_25 = arith.extui %sign3A_24 : i1 to i32
    %sign3A_26 = arith.subi %sign3A_22, %sign3A_25 : i32
    %ne3A = arith.cmpi ne, %sign3A_19, %sign3A_26 : i32
    %rem3A = arith.remsi %sub3A_13, %jit3A : i32
    %ne3A_27 = arith.constant 0 : i32
    %ne3A_28 = arith.cmpi ne, %rem3A, %ne3A_27 : i32
    %and3A = arith.andi %ne3A, %ne3A_28 : i1
    %sub3A_29 = arith.constant 1 : i32
    %sub3A_30 = arith.subi %div3A, %sub3A_29 : i32
    %select_n3A = arith.select %and3A, %sub3A_30, %div3A : i32
    %while3A = arith.constant 0 : i32
    %while3A_31 = arith.constant 0 : i32
    %while3A_32 = arith.subi %select_n3A, %while3A : i32
    %while3A_33 = arith.addi %while3A, %while3A_32 : i32
    %while3A_34 = arith.constant 1 : i32
    %while3A_35 = arith.divsi %while3A_32, %while3A_34 : i32
    %while3A_36 = arith.muli %while3A_35, %while3A_34 : i32
    %while3A_37 = arith.addi %while3A, %while3A_36 : i32
    %while3A_38 = arith.constant 1 : i32
    %while3A_39 = scf.for %while3A_47 = %while3A to %while3A_37 step %while3A_38 iter_args(%while3A_48 = %while3A_31) -> (i32)  : i32 {
      %mul3A_49 = arith.constant 32 : i32
      %mul3A_50 = arith.muli %while3A_47, %mul3A_49 : i32
      %add3A_51 = arith.addi %add3A, %mul3A_50 : i32
      %mul3A_52 = arith.constant 128 : i32
      %mul3A_53 = arith.muli %add3A_51, %mul3A_52 : i32
      "tpu.region"() ({
        %run_scoped3A = tpu.sem_alloc : memref<!tpu.dma_semaphore, #tpu.memory_space<semaphore_mem>>
        %dma_start3A_72 = tpu.memref_slice %arg4[%mul3A_53] : memref<130816xi32, #tpu.memory_space<hbm>> -> memref<128xi32, #tpu.memory_space<hbm>>
        %dma_start3A_73 = tpu.memref_slice %arg4[%mul3A_53] : memref<130816xi32, #tpu.memory_space<hbm>> -> memref<128xi32, #tpu.memory_space<hbm>>
        tpu.enqueue_dma source(%dma_start3A_73 : memref<128xi32, #tpu.memory_space<hbm>>) target(%arg8 : memref<128xi32, #tpu.memory_space<vmem>>) target_semaphore(%run_scoped3A : memref<!tpu.dma_semaphore, #tpu.memory_space<semaphore_mem>>)
        %dma_wait3A_74 = tpu.memref_slice %arg4[%mul3A_53] : memref<130816xi32, #tpu.memory_space<hbm>> -> memref<128xi32, #tpu.memory_space<hbm>>
        %dma_wait3A_75 = tpu.memref_slice %arg4[%mul3A_53] : memref<130816xi32, #tpu.memory_space<hbm>> -> memref<128xi32, #tpu.memory_space<hbm>>
        tpu.wait_dma2 semaphore(%run_scoped3A : memref<!tpu.dma_semaphore, #tpu.memory_space<semaphore_mem>>) src(%dma_wait3A_75 : memref<128xi32, #tpu.memory_space<hbm>>) dst(%arg8 : memref<128xi32, #tpu.memory_space<vmem>>)
        tpu.yield
      }) : () -> ()
      "tpu.region"() ({
        %run_scoped3A = tpu.sem_alloc : memref<!tpu.dma_semaphore, #tpu.memory_space<semaphore_mem>>
        %dma_start3A_72 = tpu.memref_slice %arg5[%mul3A_53] : memref<130816xi32, #tpu.memory_space<hbm>> -> memref<128xi32, #tpu.memory_space<hbm>>
        %dma_start3A_73 = tpu.memref_slice %arg5[%mul3A_53] : memref<130816xi32, #tpu.memory_space<hbm>> -> memref<128xi32, #tpu.memory_space<hbm>>
        tpu.enqueue_dma source(%dma_start3A_73 : memref<128xi32, #tpu.memory_space<hbm>>) target(%arg9 : memref<128xi32, #tpu.memory_space<vmem>>) target_semaphore(%run_scoped3A : memref<!tpu.dma_semaphore, #tpu.memory_space<semaphore_mem>>)
        %dma_wait3A_74 = tpu.memref_slice %arg5[%mul3A_53] : memref<130816xi32, #tpu.memory_space<hbm>> -> memref<128xi32, #tpu.memory_space<hbm>>
        %dma_wait3A_75 = tpu.memref_slice %arg5[%mul3A_53] : memref<130816xi32, #tpu.memory_space<hbm>> -> memref<128xi32, #tpu.memory_space<hbm>>
        tpu.wait_dma2 semaphore(%run_scoped3A : memref<!tpu.dma_semaphore, #tpu.memory_space<semaphore_mem>>) src(%dma_wait3A_75 : memref<128xi32, #tpu.memory_space<hbm>>) dst(%arg9 : memref<128xi32, #tpu.memory_space<vmem>>)
        tpu.yield
      }) : () -> ()
      "tpu.region"() ({
        %run_scoped3A = tpu.sem_alloc : memref<!tpu.dma_semaphore, #tpu.memory_space<semaphore_mem>>
        %dma_start3A_72 = tpu.memref_slice %arg6[%mul3A_53] : memref<130816xi32, #tpu.memory_space<hbm>> -> memref<128xi32, #tpu.memory_space<hbm>>
        %dma_start3A_73 = tpu.memref_slice %arg6[%mul3A_53] : memref<130816xi32, #tpu.memory_space<hbm>> -> memref<128xi32, #tpu.memory_space<hbm>>
        tpu.enqueue_dma source(%dma_start3A_73 : memref<128xi32, #tpu.memory_space<hbm>>) target(%arg10 : memref<128xi32, #tpu.memory_space<vmem>>) target_semaphore(%run_scoped3A : memref<!tpu.dma_semaphore, #tpu.memory_space<semaphore_mem>>)
        %dma_wait3A_74 = tpu.memref_slice %arg6[%mul3A_53] : memref<130816xi32, #tpu.memory_space<hbm>> -> memref<128xi32, #tpu.memory_space<hbm>>
        %dma_wait3A_75 = tpu.memref_slice %arg6[%mul3A_53] : memref<130816xi32, #tpu.memory_space<hbm>> -> memref<128xi32, #tpu.memory_space<hbm>>
        tpu.wait_dma2 semaphore(%run_scoped3A : memref<!tpu.dma_semaphore, #tpu.memory_space<semaphore_mem>>) src(%dma_wait3A_75 : memref<128xi32, #tpu.memory_space<hbm>>) dst(%arg10 : memref<128xi32, #tpu.memory_space<vmem>>)
        tpu.yield
      }) : () -> ()
      %dma_start3A = arith.constant 0 : i32
      %dma_start3A_54 = arith.constant 0 : i32
      %dma_start3A_55 = tpu.memref_slice %arg2[%dma_start3A, %dma_start3A_54] : memref<130816x128xf32, #tpu.memory_space<hbm>> -> memref<130816x128xf32, #tpu.memory_space<hbm>>
      tpu.enqueue_indirect_dma source(%dma_start3A_55 : memref<130816x128xf32, #tpu.memory_space<hbm>>) target(%arg11 : memref<128x128xf32, #tpu.memory_space<vmem>>) offsets(%arg8 : memref<128xi32, #tpu.memory_space<vmem>>) semaphore(%arg15 : memref<!tpu.dma_semaphore, #tpu.memory_space<semaphore_mem>>)
      %dma_start3A_56 = arith.constant 0 : i32
      %dma_start3A_57 = arith.constant 0 : i32
      %dma_start3A_58 = tpu.memref_slice %arg3[%dma_start3A_56, %dma_start3A_57] : memref<512x128xf32, #tpu.memory_space<hbm>> -> memref<512x128xf32, #tpu.memory_space<hbm>>
      tpu.enqueue_indirect_dma source(%dma_start3A_58 : memref<512x128xf32, #tpu.memory_space<hbm>>) target(%arg12 : memref<128x128xf32, #tpu.memory_space<vmem>>) offsets(%arg9 : memref<128xi32, #tpu.memory_space<vmem>>) semaphore(%arg16 : memref<!tpu.dma_semaphore, #tpu.memory_space<semaphore_mem>>)
      %dma_wait3A = arith.constant 0 : i32
      %dma_wait3A_59 = arith.constant 0 : i32
      %dma_wait3A_60 = tpu.memref_slice %arg2[%dma_wait3A, %dma_wait3A_59] : memref<130816x128xf32, #tpu.memory_space<hbm>> -> memref<130816x128xf32, #tpu.memory_space<hbm>>
      tpu.wait_indirect_dma semaphore(%arg15 : memref<!tpu.dma_semaphore, #tpu.memory_space<semaphore_mem>>) src(%dma_wait3A_60 : memref<130816x128xf32, #tpu.memory_space<hbm>>) dst(%arg11 : memref<128x128xf32, #tpu.memory_space<vmem>>)
      %dma_wait3A_61 = arith.constant 0 : i32
      %dma_wait3A_62 = arith.constant 0 : i32
      %dma_wait3A_63 = tpu.memref_slice %arg3[%dma_wait3A_61, %dma_wait3A_62] : memref<512x128xf32, #tpu.memory_space<hbm>> -> memref<512x128xf32, #tpu.memory_space<hbm>>
      tpu.wait_indirect_dma semaphore(%arg16 : memref<!tpu.dma_semaphore, #tpu.memory_space<semaphore_mem>>) src(%dma_wait3A_63 : memref<512x128xf32, #tpu.memory_space<hbm>>) dst(%arg12 : memref<128x128xf32, #tpu.memory_space<vmem>>)
      %scan3A_64 = arith.constant 0 : i32
      %scan3A_65 = arith.constant 0 : i32
      %scan3A_66 = arith.constant 128 : i32
      %scan3A_67 = arith.addi %scan3A_65, %scan3A_66 : i32
      %scan3A_68 = arith.constant 1 : i32
      %scan3A_69 = scf.for %scan3A_72 = %scan3A_65 to %scan3A_67 step %scan3A_68 iter_args(%scan3A_73 = %scan3A_64) -> (i32)  : i32 {
        %get3A = arith.index_cast %scan3A_72 : i32 to index
        %get3A_74 = arith.constant 0 : index
        %get3A_75 = tpu.vector_load %arg11[%get3A, %get3A_74] {strides = array<i32>} : memref<128x128xf32, #tpu.memory_space<vmem>>, vector<1x16xf32>,
        %get3A_76 = vector.shape_cast %get3A_75 : vector<1x16xf32> to vector<16xf32>
        %get3A_77 = arith.index_cast %scan3A_72 : i32 to index
        %get3A_78 = arith.constant 0 : index
        %get3A_79 = tpu.vector_load %arg12[%get3A_77, %get3A_78] {strides = array<i32>} : memref<128x128xf32, #tpu.memory_space<vmem>>, vector<1x16xf32>,
        %get3A_80 = vector.shape_cast %get3A_79 : vector<1x16xf32> to vector<16xf32>
        %mul3A_81 = arith.mulf %get3A_76, %get3A_80 : vector<16xf32>
        %swap3A = arith.index_cast %scan3A_72 : i32 to index
        %swap3A_82 = arith.constant 0 : index
        %swap3A_83 = tpu.vector_load %arg11[%swap3A, %swap3A_82] {strides = array<i32>} : memref<128x128xf32, #tpu.memory_space<vmem>>, vector<1x16xf32>,
        %swap3A_84 = vector.shape_cast %swap3A_83 : vector<1x16xf32> to vector<16xf32>
        %swap3A_85 = vector.shape_cast %mul3A_81 : vector<16xf32> to vector<1x16xf32>
        tpu.vector_store %arg11[%swap3A, %swap3A_82], %swap3A_85 {strides = array<i32>} : memref<128x128xf32, #tpu.memory_space<vmem>>, vector<1x16xf32>,
        %get3A_86 = arith.index_cast %scan3A_72 : i32 to index
        %get3A_87 = arith.constant 16 : index
        %get3A_88 = tpu.vector_load %arg11[%get3A_86, %get3A_87] {strides = array<i32>} : memref<128x128xf32, #tpu.memory_space<vmem>>, vector<1x16xf32>,
        %get3A_89 = vector.shape_cast %get3A_88 : vector<1x16xf32> to vector<16xf32>
        %get3A_90 = arith.index_cast %scan3A_72 : i32 to index
        %get3A_91 = arith.constant 16 : index
        %get3A_92 = tpu.vector_load %arg12[%get3A_90, %get3A_91] {strides = array<i32>} : memref<128x128xf32, #tpu.memory_space<vmem>>, vector<1x16xf32>,
        %get3A_93 = vector.shape_cast %get3A_92 : vector<1x16xf32> to vector<16xf32>
        %mul3A_94 = arith.mulf %get3A_89, %get3A_93 : vector<16xf32>
        %swap3A_95 = arith.index_cast %scan3A_72 : i32 to index
        %swap3A_96 = arith.constant 16 : index
        %swap3A_97 = tpu.vector_load %arg11[%swap3A_95, %swap3A_96] {strides = array<i32>} : memref<128x128xf32, #tpu.memory_space<vmem>>, vector<1x16xf32>,
        %swap3A_98 = vector.shape_cast %swap3A_97 : vector<1x16xf32> to vector<16xf32>
        %swap3A_99 = vector.shape_cast %mul3A_94 : vector<16xf32> to vector<1x16xf32>
        tpu.vector_store %arg11[%swap3A_95, %swap3A_96], %swap3A_99 {strides = array<i32>} : memref<128x128xf32, #tpu.memory_space<vmem>>, vector<1x16xf32>,
        %get3A_100 = arith.index_cast %scan3A_72 : i32 to index
        %get3A_101 = arith.constant 32 : index
        %get3A_102 = tpu.vector_load %arg11[%get3A_100, %get3A_101] {strides = array<i32>} : memref<128x128xf32, #tpu.memory_space<vmem>>, vector<1x16xf32>,
        %get3A_103 = vector.shape_cast %get3A_102 : vector<1x16xf32> to vector<16xf32>
        %get3A_104 = arith.index_cast %scan3A_72 : i32 to index
        %get3A_105 = arith.constant 32 : index
        %get3A_106 = tpu.vector_load %arg12[%get3A_104, %get3A_105] {strides = array<i32>} : memref<128x128xf32, #tpu.memory_space<vmem>>, vector<1x16xf32>,
        %get3A_107 = vector.shape_cast %get3A_106 : vector<1x16xf32> to vector<16xf32>
        %mul3A_108 = arith.mulf %get3A_103, %get3A_107 : vector<16xf32>
        %swap3A_109 = arith.index_cast %scan3A_72 : i32 to index
        %swap3A_110 = arith.constant 32 : index
        %swap3A_111 = tpu.vector_load %arg11[%swap3A_109, %swap3A_110] {strides = array<i32>} : memref<128x128xf32, #tpu.memory_space<vmem>>, vector<1x16xf32>,
        %swap3A_112 = vector.shape_cast %swap3A_111 : vector<1x16xf32> to vector<16xf32>
        %swap3A_113 = vector.shape_cast %mul3A_108 : vector<16xf32> to vector<1x16xf32>
        tpu.vector_store %arg11[%swap3A_109, %swap3A_110], %swap3A_113 {strides = array<i32>} : memref<128x128xf32, #tpu.memory_space<vmem>>, vector<1x16xf32>,
        %get3A_114 = arith.index_cast %scan3A_72 : i32 to index
        %get3A_115 = arith.constant 48 : index
        %get3A_116 = tpu.vector_load %arg11[%get3A_114, %get3A_115] {strides = array<i32>} : memref<128x128xf32, #tpu.memory_space<vmem>>, vector<1x16xf32>,
        %get3A_117 = vector.shape_cast %get3A_116 : vector<1x16xf32> to vector<16xf32>
        %get3A_118 = arith.index_cast %scan3A_72 : i32 to index
        %get3A_119 = arith.constant 48 : index
        %get3A_120 = tpu.vector_load %arg12[%get3A_118, %get3A_119] {strides = array<i32>} : memref<128x128xf32, #tpu.memory_space<vmem>>, vector<1x16xf32>,
        %get3A_121 = vector.shape_cast %get3A_120 : vector<1x16xf32> to vector<16xf32>
        %mul3A_122 = arith.mulf %get3A_117, %get3A_121 : vector<16xf32>
        %swap3A_123 = arith.index_cast %scan3A_72 : i32 to index
        %swap3A_124 = arith.constant 48 : index
        %swap3A_125 = tpu.vector_load %arg11[%swap3A_123, %swap3A_124] {strides = array<i32>} : memref<128x128xf32, #tpu.memory_space<vmem>>, vector<1x16xf32>,
        %swap3A_126 = vector.shape_cast %swap3A_125 : vector<1x16xf32> to vector<16xf32>
        %swap3A_127 = vector.shape_cast %mul3A_122 : vector<16xf32> to vector<1x16xf32>
        tpu.vector_store %arg11[%swap3A_123, %swap3A_124], %swap3A_127 {strides = array<i32>} : memref<128x128xf32, #tpu.memory_space<vmem>>, vector<1x16xf32>,
        %get3A_128 = arith.index_cast %scan3A_72 : i32 to index
        %get3A_129 = arith.constant 64 : index
        %get3A_130 = tpu.vector_load %arg11[%get3A_128, %get3A_129] {strides = array<i32>} : memref<128x128xf32, #tpu.memory_space<vmem>>, vector<1x16xf32>,
        %get3A_131 = vector.shape_cast %get3A_130 : vector<1x16xf32> to vector<16xf32>
        %get3A_132 = arith.index_cast %scan3A_72 : i32 to index
        %get3A_133 = arith.constant 64 : index
        %get3A_134 = tpu.vector_load %arg12[%get3A_132, %get3A_133] {strides = array<i32>} : memref<128x128xf32, #tpu.memory_space<vmem>>, vector<1x16xf32>,
        %get3A_135 = vector.shape_cast %get3A_134 : vector<1x16xf32> to vector<16xf32>
        %mul3A_136 = arith.mulf %get3A_131, %get3A_135 : vector<16xf32>
        %swap3A_137 = arith.index_cast %scan3A_72 : i32 to index
        %swap3A_138 = arith.constant 64 : index
        %swap3A_139 = tpu.vector_load %arg11[%swap3A_137, %swap3A_138] {strides = array<i32>} : memref<128x128xf32, #tpu.memory_space<vmem>>, vector<1x16xf32>,
        %swap3A_140 = vector.shape_cast %swap3A_139 : vector<1x16xf32> to vector<16xf32>
        %swap3A_141 = vector.shape_cast %mul3A_136 : vector<16xf32> to vector<1x16xf32>
        tpu.vector_store %arg11[%swap3A_137, %swap3A_138], %swap3A_141 {strides = array<i32>} : memref<128x128xf32, #tpu.memory_space<vmem>>, vector<1x16xf32>,
        %get3A_142 = arith.index_cast %scan3A_72 : i32 to index
        %get3A_143 = arith.constant 80 : index
        %get3A_144 = tpu.vector_load %arg11[%get3A_142, %get3A_143] {strides = array<i32>} : memref<128x128xf32, #tpu.memory_space<vmem>>, vector<1x16xf32>,
        %get3A_145 = vector.shape_cast %get3A_144 : vector<1x16xf32> to vector<16xf32>
        %get3A_146 = arith.index_cast %scan3A_72 : i32 to index
        %get3A_147 = arith.constant 80 : index
        %get3A_148 = tpu.vector_load %arg12[%get3A_146, %get3A_147] {strides = array<i32>} : memref<128x128xf32, #tpu.memory_space<vmem>>, vector<1x16xf32>,
        %get3A_149 = vector.shape_cast %get3A_148 : vector<1x16xf32> to vector<16xf32>
        %mul3A_150 = arith.mulf %get3A_145, %get3A_149 : vector<16xf32>
        %swap3A_151 = arith.index_cast %scan3A_72 : i32 to index
        %swap3A_152 = arith.constant 80 : index
        %swap3A_153 = tpu.vector_load %arg11[%swap3A_151, %swap3A_152] {strides = array<i32>} : memref<128x128xf32, #tpu.memory_space<vmem>>, vector<1x16xf32>,
        %swap3A_154 = vector.shape_cast %swap3A_153 : vector<1x16xf32> to vector<16xf32>
        %swap3A_155 = vector.shape_cast %mul3A_150 : vector<16xf32> to vector<1x16xf32>
        tpu.vector_store %arg11[%swap3A_151, %swap3A_152], %swap3A_155 {strides = array<i32>} : memref<128x128xf32, #tpu.memory_space<vmem>>, vector<1x16xf32>,
        %get3A_156 = arith.index_cast %scan3A_72 : i32 to index
        %get3A_157 = arith.constant 96 : index
        %get3A_158 = tpu.vector_load %arg11[%get3A_156, %get3A_157] {strides = array<i32>} : memref<128x128xf32, #tpu.memory_space<vmem>>, vector<1x16xf32>,
        %get3A_159 = vector.shape_cast %get3A_158 : vector<1x16xf32> to vector<16xf32>
        %get3A_160 = arith.index_cast %scan3A_72 : i32 to index
        %get3A_161 = arith.constant 96 : index
        %get3A_162 = tpu.vector_load %arg12[%get3A_160, %get3A_161] {strides = array<i32>} : memref<128x128xf32, #tpu.memory_space<vmem>>, vector<1x16xf32>,
        %get3A_163 = vector.shape_cast %get3A_162 : vector<1x16xf32> to vector<16xf32>
        %mul3A_164 = arith.mulf %get3A_159, %get3A_163 : vector<16xf32>
        %swap3A_165 = arith.index_cast %scan3A_72 : i32 to index
        %swap3A_166 = arith.constant 96 : index
        %swap3A_167 = tpu.vector_load %arg11[%swap3A_165, %swap3A_166] {strides = array<i32>} : memref<128x128xf32, #tpu.memory_space<vmem>>, vector<1x16xf32>,
        %swap3A_168 = vector.shape_cast %swap3A_167 : vector<1x16xf32> to vector<16xf32>
        %swap3A_169 = vector.shape_cast %mul3A_164 : vector<16xf32> to vector<1x16xf32>
        tpu.vector_store %arg11[%swap3A_165, %swap3A_166], %swap3A_169 {strides = array<i32>} : memref<128x128xf32, #tpu.memory_space<vmem>>, vector<1x16xf32>,
        %get3A_170 = arith.index_cast %scan3A_72 : i32 to index
        %get3A_171 = arith.constant 112 : index
        %get3A_172 = tpu.vector_load %arg11[%get3A_170, %get3A_171] {strides = array<i32>} : memref<128x128xf32, #tpu.memory_space<vmem>>, vector<1x16xf32>,
        %get3A_173 = vector.shape_cast %get3A_172 : vector<1x16xf32> to vector<16xf32>
        %get3A_174 = arith.index_cast %scan3A_72 : i32 to index
        %get3A_175 = arith.constant 112 : index
        %get3A_176 = tpu.vector_load %arg12[%get3A_174, %get3A_175] {strides = array<i32>} : memref<128x128xf32, #tpu.memory_space<vmem>>, vector<1x16xf32>,
        %get3A_177 = vector.shape_cast %get3A_176 : vector<1x16xf32> to vector<16xf32>
        %mul3A_178 = arith.mulf %get3A_173, %get3A_177 : vector<16xf32>
        %swap3A_179 = arith.index_cast %scan3A_72 : i32 to index
        %swap3A_180 = arith.constant 112 : index
        %swap3A_181 = tpu.vector_load %arg11[%swap3A_179, %swap3A_180] {strides = array<i32>} : memref<128x128xf32, #tpu.memory_space<vmem>>, vector<1x16xf32>,
        %swap3A_182 = vector.shape_cast %swap3A_181 : vector<1x16xf32> to vector<16xf32>
        %swap3A_183 = vector.shape_cast %mul3A_178 : vector<16xf32> to vector<1x16xf32>
        tpu.vector_store %arg11[%swap3A_179, %swap3A_180], %swap3A_183 {strides = array<i32>} : memref<128x128xf32, #tpu.memory_space<vmem>>, vector<1x16xf32>,
        %scan3A_184 = arith.constant 0 : i32
        scf.yield %scan3A_184 : i32
      }
      %scan3A_70 = arith.constant 128 : i32
      "tpu.region"() ({
        %run_scoped3A = tpu.sem_alloc : memref<!tpu.dma_semaphore, #tpu.memory_space<semaphore_mem>>
        %dma_start3A_72 = arith.constant 0 : i32
        %dma_start3A_73 = arith.constant 0 : i32
        %dma_start3A_74 = tpu.memref_slice %arg14[%dma_start3A_72, %dma_start3A_73] : memref<512x128xf32, #tpu.memory_space<vmem_shared>> -> memref<512x128xf32, #tpu.memory_space<vmem_shared>>
        tpu.enqueue_indirect_dma source(%arg11 : memref<128x128xf32, #tpu.memory_space<vmem>>) target(%dma_start3A_74 : memref<512x128xf32, #tpu.memory_space<vmem_shared>>) offsets(%arg10 : memref<128xi32, #tpu.memory_space<vmem>>) semaphore(%run_scoped3A : memref<!tpu.dma_semaphore, #tpu.memory_space<semaphore_mem>>) {add = true}
        %dma_wait3A_75 = arith.constant 0 : i32
        %dma_wait3A_76 = arith.constant 0 : i32
        %dma_wait3A_77 = tpu.memref_slice %arg14[%dma_wait3A_75, %dma_wait3A_76] : memref<512x128xf32, #tpu.memory_space<vmem_shared>> -> memref<512x128xf32, #tpu.memory_space<vmem_shared>>
        tpu.wait_indirect_dma semaphore(%run_scoped3A : memref<!tpu.dma_semaphore, #tpu.memory_space<semaphore_mem>>) src(%arg11 : memref<128x128xf32, #tpu.memory_space<vmem>>) dst(%dma_wait3A_77 : memref<512x128xf32, #tpu.memory_space<vmem_shared>>)
        tpu.yield
      }) : () -> ()
      %while3A_71 = arith.constant 0 : i32
      scf.yield %while3A_71 : i32
    }
    %while3A_40 = arith.constant 1 : i32
    %while3A_41 = scf.for %while3A_47 = %while3A_37 to %while3A_33 step %while3A_40 iter_args(%while3A_48 = %while3A_39) -> (i32)  : i32 {
      %mul3A_49 = arith.constant 32 : i32
      %mul3A_50 = arith.muli %while3A_47, %mul3A_49 : i32
      %add3A_51 = arith.addi %add3A, %mul3A_50 : i32
      %mul3A_52 = arith.constant 128 : i32
      %mul3A_53 = arith.muli %add3A_51, %mul3A_52 : i32
      "tpu.region"() ({
        %run_scoped3A = tpu.sem_alloc : memref<!tpu.dma_semaphore, #tpu.memory_space<semaphore_mem>>
        %dma_start3A_72 = tpu.memref_slice %arg4[%mul3A_53] : memref<130816xi32, #tpu.memory_space<hbm>> -> memref<128xi32, #tpu.memory_space<hbm>>
        %dma_start3A_73 = tpu.memref_slice %arg4[%mul3A_53] : memref<130816xi32, #tpu.memory_space<hbm>> -> memref<128xi32, #tpu.memory_space<hbm>>
        tpu.enqueue_dma source(%dma_start3A_73 : memref<128xi32, #tpu.memory_space<hbm>>) target(%arg8 : memref<128xi32, #tpu.memory_space<vmem>>) target_semaphore(%run_scoped3A : memref<!tpu.dma_semaphore, #tpu.memory_space<semaphore_mem>>)
        %dma_wait3A_74 = tpu.memref_slice %arg4[%mul3A_53] : memref<130816xi32, #tpu.memory_space<hbm>> -> memref<128xi32, #tpu.memory_space<hbm>>
        %dma_wait3A_75 = tpu.memref_slice %arg4[%mul3A_53] : memref<130816xi32, #tpu.memory_space<hbm>> -> memref<128xi32, #tpu.memory_space<hbm>>
        tpu.wait_dma2 semaphore(%run_scoped3A : memref<!tpu.dma_semaphore, #tpu.memory_space<semaphore_mem>>) src(%dma_wait3A_75 : memref<128xi32, #tpu.memory_space<hbm>>) dst(%arg8 : memref<128xi32, #tpu.memory_space<vmem>>)
        tpu.yield
      }) : () -> ()
      "tpu.region"() ({
        %run_scoped3A = tpu.sem_alloc : memref<!tpu.dma_semaphore, #tpu.memory_space<semaphore_mem>>
        %dma_start3A_72 = tpu.memref_slice %arg5[%mul3A_53] : memref<130816xi32, #tpu.memory_space<hbm>> -> memref<128xi32, #tpu.memory_space<hbm>>
        %dma_start3A_73 = tpu.memref_slice %arg5[%mul3A_53] : memref<130816xi32, #tpu.memory_space<hbm>> -> memref<128xi32, #tpu.memory_space<hbm>>
        tpu.enqueue_dma source(%dma_start3A_73 : memref<128xi32, #tpu.memory_space<hbm>>) target(%arg9 : memref<128xi32, #tpu.memory_space<vmem>>) target_semaphore(%run_scoped3A : memref<!tpu.dma_semaphore, #tpu.memory_space<semaphore_mem>>)
        %dma_wait3A_74 = tpu.memref_slice %arg5[%mul3A_53] : memref<130816xi32, #tpu.memory_space<hbm>> -> memref<128xi32, #tpu.memory_space<hbm>>
        %dma_wait3A_75 = tpu.memref_slice %arg5[%mul3A_53] : memref<130816xi32, #tpu.memory_space<hbm>> -> memref<128xi32, #tpu.memory_space<hbm>>
        tpu.wait_dma2 semaphore(%run_scoped3A : memref<!tpu.dma_semaphore, #tpu.memory_space<semaphore_mem>>) src(%dma_wait3A_75 : memref<128xi32, #tpu.memory_space<hbm>>) dst(%arg9 : memref<128xi32, #tpu.memory_space<vmem>>)
        tpu.yield
      }) : () -> ()
      "tpu.region"() ({
        %run_scoped3A = tpu.sem_alloc : memref<!tpu.dma_semaphore, #tpu.memory_space<semaphore_mem>>
        %dma_start3A_72 = tpu.memref_slice %arg6[%mul3A_53] : memref<130816xi32, #tpu.memory_space<hbm>> -> memref<128xi32, #tpu.memory_space<hbm>>
        %dma_start3A_73 = tpu.memref_slice %arg6[%mul3A_53] : memref<130816xi32, #tpu.memory_space<hbm>> -> memref<128xi32, #tpu.memory_space<hbm>>
        tpu.enqueue_dma source(%dma_start3A_73 : memref<128xi32, #tpu.memory_space<hbm>>) target(%arg10 : memref<128xi32, #tpu.memory_space<vmem>>) target_semaphore(%run_scoped3A : memref<!tpu.dma_semaphore, #tpu.memory_space<semaphore_mem>>)
        %dma_wait3A_74 = tpu.memref_slice %arg6[%mul3A_53] : memref<130816xi32, #tpu.memory_space<hbm>> -> memref<128xi32, #tpu.memory_space<hbm>>
        %dma_wait3A_75 = tpu.memref_slice %arg6[%mul3A_53] : memref<130816xi32, #tpu.memory_space<hbm>> -> memref<128xi32, #tpu.memory_space<hbm>>
        tpu.wait_dma2 semaphore(%run_scoped3A : memref<!tpu.dma_semaphore, #tpu.memory_space<semaphore_mem>>) src(%dma_wait3A_75 : memref<128xi32, #tpu.memory_space<hbm>>) dst(%arg10 : memref<128xi32, #tpu.memory_space<vmem>>)
        tpu.yield
      }) : () -> ()
      %dma_start3A = arith.constant 0 : i32
      %dma_start3A_54 = arith.constant 0 : i32
      %dma_start3A_55 = tpu.memref_slice %arg2[%dma_start3A, %dma_start3A_54] : memref<130816x128xf32, #tpu.memory_space<hbm>> -> memref<130816x128xf32, #tpu.memory_space<hbm>>
      tpu.enqueue_indirect_dma source(%dma_start3A_55 : memref<130816x128xf32, #tpu.memory_space<hbm>>) target(%arg11 : memref<128x128xf32, #tpu.memory_space<vmem>>) offsets(%arg8 : memref<128xi32, #tpu.memory_space<vmem>>) semaphore(%arg15 : memref<!tpu.dma_semaphore, #tpu.memory_space<semaphore_mem>>)
      %dma_start3A_56 = arith.constant 0 : i32
      %dma_start3A_57 = arith.constant 0 : i32
      %dma_start3A_58 = tpu.memref_slice %arg3[%dma_start3A_56, %dma_start3A_57] : memref<512x128xf32, #tpu.memory_space<hbm>> -> memref<512x128xf32, #tpu.memory_space<hbm>>
      tpu.enqueue_indirect_dma source(%dma_start3A_58 : memref<512x128xf32, #tpu.memory_space<hbm>>) target(%arg12 : memref<128x128xf32, #tpu.memory_space<vmem>>) offsets(%arg9 : memref<128xi32, #tpu.memory_space<vmem>>) semaphore(%arg16 : memref<!tpu.dma_semaphore, #tpu.memory_space<semaphore_mem>>)
      %dma_wait3A = arith.constant 0 : i32
      %dma_wait3A_59 = arith.constant 0 : i32
      %dma_wait3A_60 = tpu.memref_slice %arg2[%dma_wait3A, %dma_wait3A_59] : memref<130816x128xf32, #tpu.memory_space<hbm>> -> memref<130816x128xf32, #tpu.memory_space<hbm>>
      tpu.wait_indirect_dma semaphore(%arg15 : memref<!tpu.dma_semaphore, #tpu.memory_space<semaphore_mem>>) src(%dma_wait3A_60 : memref<130816x128xf32, #tpu.memory_space<hbm>>) dst(%arg11 : memref<128x128xf32, #tpu.memory_space<vmem>>)
      %dma_wait3A_61 = arith.constant 0 : i32
      %dma_wait3A_62 = arith.constant 0 : i32
      %dma_wait3A_63 = tpu.memref_slice %arg3[%dma_wait3A_61, %dma_wait3A_62] : memref<512x128xf32, #tpu.memory_space<hbm>> -> memref<512x128xf32, #tpu.memory_space<hbm>>
      tpu.wait_indirect_dma semaphore(%arg16 : memref<!tpu.dma_semaphore, #tpu.memory_space<semaphore_mem>>) src(%dma_wait3A_63 : memref<512x128xf32, #tpu.memory_space<hbm>>) dst(%arg12 : memref<128x128xf32, #tpu.memory_space<vmem>>)
      %scan3A_64 = arith.constant 0 : i32
      %scan3A_65 = arith.constant 0 : i32
      %scan3A_66 = arith.constant 128 : i32
      %scan3A_67 = arith.addi %scan3A_65, %scan3A_66 : i32
      %scan3A_68 = arith.constant 1 : i32
      %scan3A_69 = scf.for %scan3A_72 = %scan3A_65 to %scan3A_67 step %scan3A_68 iter_args(%scan3A_73 = %scan3A_64) -> (i32)  : i32 {
        %get3A = arith.index_cast %scan3A_72 : i32 to index
        %get3A_74 = arith.constant 0 : index
        %get3A_75 = tpu.vector_load %arg11[%get3A, %get3A_74] {strides = array<i32>} : memref<128x128xf32, #tpu.memory_space<vmem>>, vector<1x16xf32>,
        %get3A_76 = vector.shape_cast %get3A_75 : vector<1x16xf32> to vector<16xf32>
        %get3A_77 = arith.index_cast %scan3A_72 : i32 to index
        %get3A_78 = arith.constant 0 : index
        %get3A_79 = tpu.vector_load %arg12[%get3A_77, %get3A_78] {strides = array<i32>} : memref<128x128xf32, #tpu.memory_space<vmem>>, vector<1x16xf32>,
        %get3A_80 = vector.shape_cast %get3A_79 : vector<1x16xf32> to vector<16xf32>
        %mul3A_81 = arith.mulf %get3A_76, %get3A_80 : vector<16xf32>
        %swap3A = arith.index_cast %scan3A_72 : i32 to index
        %swap3A_82 = arith.constant 0 : index
        %swap3A_83 = tpu.vector_load %arg11[%swap3A, %swap3A_82] {strides = array<i32>} : memref<128x128xf32, #tpu.memory_space<vmem>>, vector<1x16xf32>,
        %swap3A_84 = vector.shape_cast %swap3A_83 : vector<1x16xf32> to vector<16xf32>
        %swap3A_85 = vector.shape_cast %mul3A_81 : vector<16xf32> to vector<1x16xf32>
        tpu.vector_store %arg11[%swap3A, %swap3A_82], %swap3A_85 {strides = array<i32>} : memref<128x128xf32, #tpu.memory_space<vmem>>, vector<1x16xf32>,
        %get3A_86 = arith.index_cast %scan3A_72 : i32 to index
        %get3A_87 = arith.constant 16 : index
        %get3A_88 = tpu.vector_load %arg11[%get3A_86, %get3A_87] {strides = array<i32>} : memref<128x128xf32, #tpu.memory_space<vmem>>, vector<1x16xf32>,
        %get3A_89 = vector.shape_cast %get3A_88 : vector<1x16xf32> to vector<16xf32>
        %get3A_90 = arith.index_cast %scan3A_72 : i32 to index
        %get3A_91 = arith.constant 16 : index
        %get3A_92 = tpu.vector_load %arg12[%get3A_90, %get3A_91] {strides = array<i32>} : memref<128x128xf32, #tpu.memory_space<vmem>>, vector<1x16xf32>,
        %get3A_93 = vector.shape_cast %get3A_92 : vector<1x16xf32> to vector<16xf32>
        %mul3A_94 = arith.mulf %get3A_89, %get3A_93 : vector<16xf32>
        %swap3A_95 = arith.index_cast %scan3A_72 : i32 to index
        %swap3A_96 = arith.constant 16 : index
        %swap3A_97 = tpu.vector_load %arg11[%swap3A_95, %swap3A_96] {strides = array<i32>} : memref<128x128xf32, #tpu.memory_space<vmem>>, vector<1x16xf32>,
        %swap3A_98 = vector.shape_cast %swap3A_97 : vector<1x16xf32> to vector<16xf32>
        %swap3A_99 = vector.shape_cast %mul3A_94 : vector<16xf32> to vector<1x16xf32>
        tpu.vector_store %arg11[%swap3A_95, %swap3A_96], %swap3A_99 {strides = array<i32>} : memref<128x128xf32, #tpu.memory_space<vmem>>, vector<1x16xf32>,
        %get3A_100 = arith.index_cast %scan3A_72 : i32 to index
        %get3A_101 = arith.constant 32 : index
        %get3A_102 = tpu.vector_load %arg11[%get3A_100, %get3A_101] {strides = array<i32>} : memref<128x128xf32, #tpu.memory_space<vmem>>, vector<1x16xf32>,
        %get3A_103 = vector.shape_cast %get3A_102 : vector<1x16xf32> to vector<16xf32>
        %get3A_104 = arith.index_cast %scan3A_72 : i32 to index
        %get3A_105 = arith.constant 32 : index
        %get3A_106 = tpu.vector_load %arg12[%get3A_104, %get3A_105] {strides = array<i32>} : memref<128x128xf32, #tpu.memory_space<vmem>>, vector<1x16xf32>,
        %get3A_107 = vector.shape_cast %get3A_106 : vector<1x16xf32> to vector<16xf32>
        %mul3A_108 = arith.mulf %get3A_103, %get3A_107 : vector<16xf32>
        %swap3A_109 = arith.index_cast %scan3A_72 : i32 to index
        %swap3A_110 = arith.constant 32 : index
        %swap3A_111 = tpu.vector_load %arg11[%swap3A_109, %swap3A_110] {strides = array<i32>} : memref<128x128xf32, #tpu.memory_space<vmem>>, vector<1x16xf32>,
        %swap3A_112 = vector.shape_cast %swap3A_111 : vector<1x16xf32> to vector<16xf32>
        %swap3A_113 = vector.shape_cast %mul3A_108 : vector<16xf32> to vector<1x16xf32>
        tpu.vector_store %arg11[%swap3A_109, %swap3A_110], %swap3A_113 {strides = array<i32>} : memref<128x128xf32, #tpu.memory_space<vmem>>, vector<1x16xf32>,
        %get3A_114 = arith.index_cast %scan3A_72 : i32 to index
        %get3A_115 = arith.constant 48 : index
        %get3A_116 = tpu.vector_load %arg11[%get3A_114, %get3A_115] {strides = array<i32>} : memref<128x128xf32, #tpu.memory_space<vmem>>, vector<1x16xf32>,
        %get3A_117 = vector.shape_cast %get3A_116 : vector<1x16xf32> to vector<16xf32>
        %get3A_118 = arith.index_cast %scan3A_72 : i32 to index
        %get3A_119 = arith.constant 48 : index
        %get3A_120 = tpu.vector_load %arg12[%get3A_118, %get3A_119] {strides = array<i32>} : memref<128x128xf32, #tpu.memory_space<vmem>>, vector<1x16xf32>,
        %get3A_121 = vector.shape_cast %get3A_120 : vector<1x16xf32> to vector<16xf32>
        %mul3A_122 = arith.mulf %get3A_117, %get3A_121 : vector<16xf32>
        %swap3A_123 = arith.index_cast %scan3A_72 : i32 to index
        %swap3A_124 = arith.constant 48 : index
        %swap3A_125 = tpu.vector_load %arg11[%swap3A_123, %swap3A_124] {strides = array<i32>} : memref<128x128xf32, #tpu.memory_space<vmem>>, vector<1x16xf32>,
        %swap3A_126 = vector.shape_cast %swap3A_125 : vector<1x16xf32> to vector<16xf32>
        %swap3A_127 = vector.shape_cast %mul3A_122 : vector<16xf32> to vector<1x16xf32>
        tpu.vector_store %arg11[%swap3A_123, %swap3A_124], %swap3A_127 {strides = array<i32>} : memref<128x128xf32, #tpu.memory_space<vmem>>, vector<1x16xf32>,
        %get3A_128 = arith.index_cast %scan3A_72 : i32 to index
        %get3A_129 = arith.constant 64 : index
        %get3A_130 = tpu.vector_load %arg11[%get3A_128, %get3A_129] {strides = array<i32>} : memref<128x128xf32, #tpu.memory_space<vmem>>, vector<1x16xf32>,
        %get3A_131 = vector.shape_cast %get3A_130 : vector<1x16xf32> to vector<16xf32>
        %get3A_132 = arith.index_cast %scan3A_72 : i32 to index
        %get3A_133 = arith.constant 64 : index
        %get3A_134 = tpu.vector_load %arg12[%get3A_132, %get3A_133] {strides = array<i32>} : memref<128x128xf32, #tpu.memory_space<vmem>>, vector<1x16xf32>,
        %get3A_135 = vector.shape_cast %get3A_134 : vector<1x16xf32> to vector<16xf32>
        %mul3A_136 = arith.mulf %get3A_131, %get3A_135 : vector<16xf32>
        %swap3A_137 = arith.index_cast %scan3A_72 : i32 to index
        %swap3A_138 = arith.constant 64 : index
        %swap3A_139 = tpu.vector_load %arg11[%swap3A_137, %swap3A_138] {strides = array<i32>} : memref<128x128xf32, #tpu.memory_space<vmem>>, vector<1x16xf32>,
        %swap3A_140 = vector.shape_cast %swap3A_139 : vector<1x16xf32> to vector<16xf32>
        %swap3A_141 = vector.shape_cast %mul3A_136 : vector<16xf32> to vector<1x16xf32>
        tpu.vector_store %arg11[%swap3A_137, %swap3A_138], %swap3A_141 {strides = array<i32>} : memref<128x128xf32, #tpu.memory_space<vmem>>, vector<1x16xf32>,
        %get3A_142 = arith.index_cast %scan3A_72 : i32 to index
        %get3A_143 = arith.constant 80 : index
        %get3A_144 = tpu.vector_load %arg11[%get3A_142, %get3A_143] {strides = array<i32>} : memref<128x128xf32, #tpu.memory_space<vmem>>, vector<1x16xf32>,
        %get3A_145 = vector.shape_cast %get3A_144 : vector<1x16xf32> to vector<16xf32>
        %get3A_146 = arith.index_cast %scan3A_72 : i32 to index
        %get3A_147 = arith.constant 80 : index
        %get3A_148 = tpu.vector_load %arg12[%get3A_146, %get3A_147] {strides = array<i32>} : memref<128x128xf32, #tpu.memory_space<vmem>>, vector<1x16xf32>,
        %get3A_149 = vector.shape_cast %get3A_148 : vector<1x16xf32> to vector<16xf32>
        %mul3A_150 = arith.mulf %get3A_145, %get3A_149 : vector<16xf32>
        %swap3A_151 = arith.index_cast %scan3A_72 : i32 to index
        %swap3A_152 = arith.constant 80 : index
        %swap3A_153 = tpu.vector_load %arg11[%swap3A_151, %swap3A_152] {strides = array<i32>} : memref<128x128xf32, #tpu.memory_space<vmem>>, vector<1x16xf32>,
        %swap3A_154 = vector.shape_cast %swap3A_153 : vector<1x16xf32> to vector<16xf32>
        %swap3A_155 = vector.shape_cast %mul3A_150 : vector<16xf32> to vector<1x16xf32>
        tpu.vector_store %arg11[%swap3A_151, %swap3A_152], %swap3A_155 {strides = array<i32>} : memref<128x128xf32, #tpu.memory_space<vmem>>, vector<1x16xf32>,
        %get3A_156 = arith.index_cast %scan3A_72 : i32 to index
        %get3A_157 = arith.constant 96 : index
        %get3A_158 = tpu.vector_load %arg11[%get3A_156, %get3A_157] {strides = array<i32>} : memref<128x128xf32, #tpu.memory_space<vmem>>, vector<1x16xf32>,
        %get3A_159 = vector.shape_cast %get3A_158 : vector<1x16xf32> to vector<16xf32>
        %get3A_160 = arith.index_cast %scan3A_72 : i32 to index
        %get3A_161 = arith.constant 96 : index
        %get3A_162 = tpu.vector_load %arg12[%get3A_160, %get3A_161] {strides = array<i32>} : memref<128x128xf32, #tpu.memory_space<vmem>>, vector<1x16xf32>,
        %get3A_163 = vector.shape_cast %get3A_162 : vector<1x16xf32> to vector<16xf32>
        %mul3A_164 = arith.mulf %get3A_159, %get3A_163 : vector<16xf32>
        %swap3A_165 = arith.index_cast %scan3A_72 : i32 to index
        %swap3A_166 = arith.constant 96 : index
        %swap3A_167 = tpu.vector_load %arg11[%swap3A_165, %swap3A_166] {strides = array<i32>} : memref<128x128xf32, #tpu.memory_space<vmem>>, vector<1x16xf32>,
        %swap3A_168 = vector.shape_cast %swap3A_167 : vector<1x16xf32> to vector<16xf32>
        %swap3A_169 = vector.shape_cast %mul3A_164 : vector<16xf32> to vector<1x16xf32>
        tpu.vector_store %arg11[%swap3A_165, %swap3A_166], %swap3A_169 {strides = array<i32>} : memref<128x128xf32, #tpu.memory_space<vmem>>, vector<1x16xf32>,
        %get3A_170 = arith.index_cast %scan3A_72 : i32 to index
        %get3A_171 = arith.constant 112 : index
        %get3A_172 = tpu.vector_load %arg11[%get3A_170, %get3A_171] {strides = array<i32>} : memref<128x128xf32, #tpu.memory_space<vmem>>, vector<1x16xf32>,
        %get3A_173 = vector.shape_cast %get3A_172 : vector<1x16xf32> to vector<16xf32>
        %get3A_174 = arith.index_cast %scan3A_72 : i32 to index
        %get3A_175 = arith.constant 112 : index
        %get3A_176 = tpu.vector_load %arg12[%get3A_174, %get3A_175] {strides = array<i32>} : memref<128x128xf32, #tpu.memory_space<vmem>>, vector<1x16xf32>,
        %get3A_177 = vector.shape_cast %get3A_176 : vector<1x16xf32> to vector<16xf32>
        %mul3A_178 = arith.mulf %get3A_173, %get3A_177 : vector<16xf32>
        %swap3A_179 = arith.index_cast %scan3A_72 : i32 to index
        %swap3A_180 = arith.constant 112 : index
        %swap3A_181 = tpu.vector_load %arg11[%swap3A_179, %swap3A_180] {strides = array<i32>} : memref<128x128xf32, #tpu.memory_space<vmem>>, vector<1x16xf32>,
        %swap3A_182 = vector.shape_cast %swap3A_181 : vector<1x16xf32> to vector<16xf32>
        %swap3A_183 = vector.shape_cast %mul3A_178 : vector<16xf32> to vector<1x16xf32>
        tpu.vector_store %arg11[%swap3A_179, %swap3A_180], %swap3A_183 {strides = array<i32>} : memref<128x128xf32, #tpu.memory_space<vmem>>, vector<1x16xf32>,
        %scan3A_184 = arith.constant 0 : i32
        scf.yield %scan3A_184 : i32
      }
      %scan3A_70 = arith.constant 128 : i32
      "tpu.region"() ({
        %run_scoped3A = tpu.sem_alloc : memref<!tpu.dma_semaphore, #tpu.memory_space<semaphore_mem>>
        %dma_start3A_72 = arith.constant 0 : i32
        %dma_start3A_73 = arith.constant 0 : i32
        %dma_start3A_74 = tpu.memref_slice %arg14[%dma_start3A_72, %dma_start3A_73] : memref<512x128xf32, #tpu.memory_space<vmem_shared>> -> memref<512x128xf32, #tpu.memory_space<vmem_shared>>
        tpu.enqueue_indirect_dma source(%arg11 : memref<128x128xf32, #tpu.memory_space<vmem>>) target(%dma_start3A_74 : memref<512x128xf32, #tpu.memory_space<vmem_shared>>) offsets(%arg10 : memref<128xi32, #tpu.memory_space<vmem>>) semaphore(%run_scoped3A : memref<!tpu.dma_semaphore, #tpu.memory_space<semaphore_mem>>) {add = true}
        %dma_wait3A_75 = arith.constant 0 : i32
        %dma_wait3A_76 = arith.constant 0 : i32
        %dma_wait3A_77 = tpu.memref_slice %arg14[%dma_wait3A_75, %dma_wait3A_76] : memref<512x128xf32, #tpu.memory_space<vmem_shared>> -> memref<512x128xf32, #tpu.memory_space<vmem_shared>>
        tpu.wait_indirect_dma semaphore(%run_scoped3A : memref<!tpu.dma_semaphore, #tpu.memory_space<semaphore_mem>>) src(%arg11 : memref<128x128xf32, #tpu.memory_space<vmem>>) dst(%dma_wait3A_77 : memref<512x128xf32, #tpu.memory_space<vmem_shared>>)
        tpu.yield
      }) : () -> ()
      %while3A_71 = arith.constant 0 : i32
      scf.yield %while3A_71 : i32
    }
    %barrier3A_42 = arith.constant 0 : index
    tpu.barrier barrier_id(%barrier3A_42)
    %mul3A_43 = arith.constant 32 : i32
    %mul3A_44 = arith.muli %arg1, %mul3A_43 : i32
    %mul3A_45 = arith.constant 32 : i32
    %mul3A_46 = arith.muli %arg1, %mul3A_45 : i32
    "tpu.region"() ({
      %run_scoped3A = tpu.sem_alloc : memref<!tpu.dma_semaphore, #tpu.memory_space<semaphore_mem>>
      %dma_start3A = arith.constant 0 : i32
      %dma_start3A_47 = tpu.memref_slice %arg7[%arg0, %mul3A_46, %dma_start3A] : memref<2x512x128xf32, #tpu.memory_space<hbm>> -> memref<1x32x128xf32, #tpu.memory_space<hbm>>
      %dma_start3A_48 = tpu.memref_squeeze %dma_start3A_47 : memref<1x32x128xf32, #tpu.memory_space<hbm>> -> memref<32x128xf32, #tpu.memory_space<hbm>>
      %dma_start3A_49 = arith.constant 0 : i32
      %dma_start3A_50 = tpu.memref_slice %arg14[%mul3A_44, %dma_start3A_49] : memref<512x128xf32, #tpu.memory_space<vmem_shared>> -> memref<32x128xf32, #tpu.memory_space<vmem_shared>>
      tpu.enqueue_dma source(%dma_start3A_50 : memref<32x128xf32, #tpu.memory_space<vmem_shared>>) target(%dma_start3A_48 : memref<32x128xf32, #tpu.memory_space<hbm>>) target_semaphore(%run_scoped3A : memref<!tpu.dma_semaphore, #tpu.memory_space<semaphore_mem>>)
      %dma_wait3A = arith.constant 0 : i32
      %dma_wait3A_51 = tpu.memref_slice %arg7[%arg0, %mul3A_46, %dma_wait3A] : memref<2x512x128xf32, #tpu.memory_space<hbm>> -> memref<1x32x128xf32, #tpu.memory_space<hbm>>
      %dma_wait3A_52 = tpu.memref_squeeze %dma_wait3A_51 : memref<1x32x128xf32, #tpu.memory_space<hbm>> -> memref<32x128xf32, #tpu.memory_space<hbm>>
      %dma_wait3A_53 = arith.constant 0 : i32
      %dma_wait3A_54 = tpu.memref_slice %arg14[%mul3A_44, %dma_wait3A_53] : memref<512x128xf32, #tpu.memory_space<vmem_shared>> -> memref<32x128xf32, #tpu.memory_space<vmem_shared>>
      tpu.wait_dma2 semaphore(%run_scoped3A : memref<!tpu.dma_semaphore, #tpu.memory_space<semaphore_mem>>) src(%dma_wait3A_54 : memref<32x128xf32, #tpu.memory_space<vmem_shared>>) dst(%dma_wait3A_52 : memref<32x128xf32, #tpu.memory_space<hbm>>)
      tpu.yield
    }) : () -> ()
    return
  }
}

module attributes {stable_mosaic.version = 14 : i64} {
  func.func @_feat_body(%arg0: i32, %arg1: memref<256x64xf32, #tpu.memory_space<vmem>>, %arg2: memref<64x1xf32, #tpu.memory_space<vmem>>, %arg3: memref<1x1xf32, #tpu.memory_space<vmem>>, %arg4: memref<64x96xf32, #tpu.memory_space<vmem>>, %arg5: memref<1x96xf32, #tpu.memory_space<vmem>>, %arg6: memref<1x96xf32, #tpu.memory_space<vmem>>, %arg7: memref<1x96xf32, #tpu.memory_space<vmem>>, %arg8: memref<96x128xf32, #tpu.memory_space<vmem>>, %arg9: memref<1x128xf32, #tpu.memory_space<vmem>>, %arg10: memref<256x1xf32, #tpu.memory_space<vmem>>, %arg11: memref<1x1xf32, #tpu.memory_space<vmem>>, %arg12: memref<256x128xf32, #tpu.memory_space<vmem>>) attributes {dimension_semantics = [#tpu.dimension_semantics<arbitrary>], iteration_bounds = array<i64: 511>, scalar_prefetch = 0 : i64, scratch_operands = 0 : i64, tpu.core_type = #tpu.core_type<tc>, window_params = [{transform_indices = @transform_0, window_bounds = array<i64: 256, 64>}, {pipeline_mode = #tpu.pipeline_mode<synchronous>, transform_indices = @transform_1, window_bounds = array<i64: 64, 1>}, {pipeline_mode = #tpu.pipeline_mode<synchronous>, transform_indices = @transform_2, window_bounds = array<i64: 1, 1>}, {pipeline_mode = #tpu.pipeline_mode<synchronous>, transform_indices = @transform_3, window_bounds = array<i64: 64, 96>}, {pipeline_mode = #tpu.pipeline_mode<synchronous>, transform_indices = @transform_4, window_bounds = array<i64: 1, 96>}, {pipeline_mode = #tpu.pipeline_mode<synchronous>, transform_indices = @transform_5, window_bounds = array<i64: 1, 96>}, {pipeline_mode = #tpu.pipeline_mode<synchronous>, transform_indices = @transform_6, window_bounds = array<i64: 1, 96>}, {pipeline_mode = #tpu.pipeline_mode<synchronous>, transform_indices = @transform_7, window_bounds = array<i64: 96, 128>}, {pipeline_mode = #tpu.pipeline_mode<synchronous>, transform_indices = @transform_8, window_bounds = array<i64: 1, 128>}, {transform_indices = @transform_9, window_bounds = array<i64: 256, 1>}, {pipeline_mode = #tpu.pipeline_mode<synchronous>, transform_indices = @transform_10, window_bounds = array<i64: 1, 1>}, {transform_indices = @transform_11, window_bounds = array<i64: 256, 128>}]} {
    %get3A = arith.constant 0 : index
    %get3A_0 = arith.constant 0 : index
    %get3A_1 = vector.load %arg1[%get3A, %get3A_0] : memref<256x64xf32, #tpu.memory_space<vmem>>, vector<256x64xf32>
    %get3A_2 = arith.constant 0 : index
    %get3A_3 = arith.constant 0 : index
    %get3A_4 = vector.load %arg2[%get3A_2, %get3A_3] : memref<64x1xf32, #tpu.memory_space<vmem>>, vector<64x1xf32>
    %dot_general3A = arith.constant dense<0.000000e+00> : vector<256x1xf32>
    %dot_general3A_5 = tpu.matmul %get3A_1, %get3A_4, %dot_general3A {dimension_numbers = #tpu.dot_dimension_numbers<[1], [0], [0], [1], [0, 0, 1, 1], [], []>, transpose_lhs_hint = false} : vector<256x64xf32>, vector<64x1xf32>, vector<256x1xf32> -> vector<256x1xf32>
    %get3A_6 = arith.constant 0 : index
    %get3A_7 = arith.constant 0 : index
    %get3A_8 = vector.load %arg3[%get3A_6, %get3A_7] : memref<1x1xf32, #tpu.memory_space<vmem>>, vector<1x1xf32>
    %get3A_9 = vector.extract %get3A_8[0, 0] : f32 from vector<1x1xf32>
    %add3A = vector.broadcast %get3A_9 : f32 to vector<256x1xf32>
    %add3A_10 = arith.addf %dot_general3A_5, %add3A : vector<256x1xf32>
    %swap3A = arith.constant 0 : index
    %swap3A_11 = arith.constant 0 : index
    %swap3A_12 = vector.load %arg10[%swap3A, %swap3A_11] : memref<256x1xf32, #tpu.memory_space<vmem>>, vector<256x1xf32>
    tpu.vector_store %arg10[%swap3A, %swap3A_11], %add3A_10 {strides = array<i32>} : memref<256x1xf32, #tpu.memory_space<vmem>>, vector<256x1xf32>,
    %reduce_max3A = arith.constant dense<0xFF800000> : vector<1xf32>
    %reduce_max3A_13 = vector.multi_reduction <maximumf>, %add3A_10, %reduce_max3A [0] : vector<256x1xf32> to vector<1xf32>
    %broadcast_in_dim3A = vector.shape_cast %reduce_max3A_13 : vector<1xf32> to vector<1x1xf32>
    %eq3A = arith.constant 0 : i32
    %eq3A_14 = arith.cmpi eq, %arg0, %eq3A : i32
    %convert_element_type3A = arith.extui %eq3A_14 : i1 to i32
    %cond3A = arith.constant 0 : i32
    %cond3A_15 = arith.cmpi ne, %convert_element_type3A, %cond3A : i32
    scf.if %cond3A_15 {
      %swap3A_92 = arith.constant 0 : index
      %swap3A_93 = arith.constant 0 : index
      %swap3A_94 = vector.load %arg11[%swap3A_92, %swap3A_93] : memref<1x1xf32, #tpu.memory_space<vmem>>, vector<1x1xf32>
      tpu.vector_store %arg11[%swap3A_92, %swap3A_93], %broadcast_in_dim3A {strides = array<i32>} : memref<1x1xf32, #tpu.memory_space<vmem>>, vector<1x1xf32>,
    } else {
    }
    %gt3A = arith.constant 0 : i32
    %gt3A_16 = arith.cmpi sgt, %arg0, %gt3A : i32
    %convert_element_type3A_17 = arith.extui %gt3A_16 : i1 to i32
    %cond3A_18 = arith.constant 0 : i32
    %cond3A_19 = arith.cmpi ne, %convert_element_type3A_17, %cond3A_18 : i32
    scf.if %cond3A_19 {
      %get3A_92 = arith.constant 0 : index
      %get3A_93 = arith.constant 0 : index
      %get3A_94 = vector.load %arg11[%get3A_92, %get3A_93] : memref<1x1xf32, #tpu.memory_space<vmem>>, vector<1x1xf32>
      %max3A_95 = arith.maximumf %get3A_94, %broadcast_in_dim3A : vector<1x1xf32>
      %swap3A_96 = arith.constant 0 : index
      %swap3A_97 = arith.constant 0 : index
      %swap3A_98 = vector.load %arg11[%swap3A_96, %swap3A_97] : memref<1x1xf32, #tpu.memory_space<vmem>>, vector<1x1xf32>
      tpu.vector_store %arg11[%swap3A_96, %swap3A_97], %max3A_95 {strides = array<i32>} : memref<1x1xf32, #tpu.memory_space<vmem>>, vector<1x1xf32>,
    } else {
    }
    %get3A_20 = arith.constant 0 : index
    %get3A_21 = arith.constant 0 : index
    %get3A_22 = vector.load %arg4[%get3A_20, %get3A_21] : memref<64x96xf32, #tpu.memory_space<vmem>>, vector<64x96xf32>
    %dot_general3A_23 = arith.constant dense<0.000000e+00> : vector<256x96xf32>
    %dot_general3A_24 = tpu.matmul %get3A_1, %get3A_22, %dot_general3A_23 {dimension_numbers = #tpu.dot_dimension_numbers<[1], [0], [0], [1], [0, 0, 1, 1], [], []>, transpose_lhs_hint = false} : vector<256x64xf32>, vector<64x96xf32>, vector<256x96xf32> -> vector<256x96xf32>
    %get3A_25 = arith.constant 0 : index
    %get3A_26 = arith.constant 0 : index
    %get3A_27 = vector.load %arg5[%get3A_25, %get3A_26] : memref<1x96xf32, #tpu.memory_space<vmem>>, vector<1x96xf32>
    %add3A_28 = vector.broadcast %get3A_27 : vector<1x96xf32> to vector<256x96xf32>
    %add3A_29 = arith.addf %dot_general3A_24, %add3A_28 : vector<256x96xf32>
    %get3A_30 = arith.constant 0 : index
    %get3A_31 = arith.constant 0 : index
    %get3A_32 = vector.load %arg6[%get3A_30, %get3A_31] : memref<1x96xf32, #tpu.memory_space<vmem>>, vector<1x96xf32>
    %get3A_33 = arith.constant 0 : index
    %get3A_34 = arith.constant 0 : index
    %get3A_35 = vector.load %arg7[%get3A_33, %get3A_34] : memref<1x96xf32, #tpu.memory_space<vmem>>, vector<1x96xf32>
    %reduce_sum3A = arith.constant dense<0.000000e+00> : vector<256xf32>
    %reduce_sum3A_36 = vector.multi_reduction <add>, %add3A_29, %reduce_sum3A [1] : vector<256x96xf32> to vector<256xf32>
    %broadcast_in_dim3A_37 = vector.shape_cast %reduce_sum3A_36 : vector<256xf32> to vector<256x1xf32>
    %div3A = arith.constant 9.600000e+01 : f32
    %div3A_38 = vector.broadcast %div3A : f32 to vector<256x1xf32>
    %div3A_39 = arith.divf %broadcast_in_dim3A_37, %div3A_38 : vector<256x1xf32>
    %jit3A = arith.constant 0 : i32
    %reduce_sum3A_40 = arith.constant dense<0.000000e+00> : vector<256xf32>
    %reduce_sum3A_41 = vector.multi_reduction <add>, %add3A_29, %reduce_sum3A_40 [1] : vector<256x96xf32> to vector<256xf32>
    %broadcast_in_dim3A_42 = vector.shape_cast %reduce_sum3A_41 : vector<256xf32> to vector<256x1xf32>
    %div3A_43 = arith.constant 9.600000e+01 : f32
    %div3A_44 = vector.broadcast %div3A_43 : f32 to vector<256x1xf32>
    %div3A_45 = arith.divf %broadcast_in_dim3A_42, %div3A_44 : vector<256x1xf32>
    %sub3A = vector.broadcast %div3A_45 : vector<256x1xf32> to vector<256x96xf32>
    %sub3A_46 = arith.subf %add3A_29, %sub3A : vector<256x96xf32>
    %square3A = arith.mulf %sub3A_46, %sub3A_46 : vector<256x96xf32>
    %convert_element_type3A_47 = arith.sitofp %jit3A : i32 to f32
    %sub3A_48 = arith.constant 9.600000e+01 : f32
    %sub3A_49 = arith.subf %sub3A_48, %convert_element_type3A_47 : f32
    %reduce_sum3A_50 = arith.constant dense<0.000000e+00> : vector<256xf32>
    %reduce_sum3A_51 = vector.multi_reduction <add>, %square3A, %reduce_sum3A_50 [1] : vector<256x96xf32> to vector<256xf32>
    %broadcast_in_dim3A_52 = vector.shape_cast %reduce_sum3A_51 : vector<256xf32> to vector<256x1xf32>
    %div3A_53 = vector.broadcast %sub3A_49 : f32 to vector<256x1xf32>
    %div3A_54 = arith.divf %broadcast_in_dim3A_52, %div3A_53 : vector<256x1xf32>
    %gt3A_55 = arith.constant 0.000000e+00 : f32
    %gt3A_56 = arith.cmpf ogt, %sub3A_49, %gt3A_55 : f32
    %jit3A_57 = arith.constant 0x7FC00000 : f32
    %broadcast_in_dim3A_58 = vector.broadcast %jit3A_57 : f32 to vector<256x1xf32>
    %select_n3A = arith.select %gt3A_56, %div3A_54, %broadcast_in_dim3A_58 : vector<256x1xf32>
    %sub3A_59 = vector.broadcast %div3A_39 : vector<256x1xf32> to vector<256x96xf32>
    %sub3A_60 = arith.subf %add3A_29, %sub3A_59 : vector<256x96xf32>
    %add3A_61 = arith.constant 9.99999974E-6 : f32
    %add3A_62 = vector.broadcast %add3A_61 : f32 to vector<256x1xf32>
    %add3A_63 = arith.addf %select_n3A, %add3A_62 : vector<256x1xf32>
    %sqrt3A = math.sqrt %add3A_63 : vector<256x1xf32>
    %div3A_64 = vector.broadcast %sqrt3A : vector<256x1xf32> to vector<256x96xf32>
    %div3A_65 = arith.divf %sub3A_60, %div3A_64 : vector<256x96xf32>
    %mul3A = vector.broadcast %get3A_32 : vector<1x96xf32> to vector<256x96xf32>
    %mul3A_66 = arith.mulf %div3A_65, %mul3A : vector<256x96xf32>
    %add3A_67 = vector.broadcast %get3A_35 : vector<1x96xf32> to vector<256x96xf32>
    %add3A_68 = arith.addf %mul3A_66, %add3A_67 : vector<256x96xf32>
    %custom_jvp_call3A = arith.constant 0.000000e+00 : f32
    %max3A = vector.broadcast %custom_jvp_call3A : f32 to vector<256x96xf32>
    %max3A_69 = arith.maximumf %add3A_68, %max3A : vector<256x96xf32>
    %sub3A_70 = vector.broadcast %custom_jvp_call3A : f32 to vector<256x96xf32>
    %sub3A_71 = arith.subf %add3A_68, %sub3A_70 : vector<256x96xf32>
    %ne3A = arith.cmpf one, %sub3A_71, %sub3A_71 : vector<256x96xf32>
    %add3A_72 = vector.broadcast %custom_jvp_call3A : f32 to vector<256x96xf32>
    %add3A_73 = arith.addf %add3A_68, %add3A_72 : vector<256x96xf32>
    %abs3A = math.absf %sub3A_71 : vector<256x96xf32>
    %neg3A = arith.constant 0.000000e+00 : f32
    %neg3A_74 = vector.broadcast %neg3A : f32 to vector<256x96xf32>
    %neg3A_75 = arith.subf %neg3A_74, %abs3A : vector<256x96xf32>
    %exp3A = math.exp %neg3A_75 : vector<256x96xf32>
    %log1p3A = math.log1p %exp3A : vector<256x96xf32>
    %add3A_76 = arith.addf %max3A_69, %log1p3A : vector<256x96xf32>
    %select_n3A_77 = arith.select %ne3A, %add3A_73, %add3A_76 : vector<256x96xi1>, vector<256x96xf32>
    %tanh3A = math.tanh %select_n3A_77 : vector<256x96xf32>
    %mul3A_78 = arith.mulf %add3A_68, %tanh3A : vector<256x96xf32>
    %get3A_79 = arith.constant 0 : index
    %get3A_80 = arith.constant 0 : index
    %get3A_81 = vector.load %arg8[%get3A_79, %get3A_80] : memref<96x128xf32, #tpu.memory_space<vmem>>, vector<96x128xf32>
    %dot_general3A_82 = arith.constant dense<0.000000e+00> : vector<256x128xf32>
    %dot_general3A_83 = tpu.matmul %mul3A_78, %get3A_81, %dot_general3A_82 {dimension_numbers = #tpu.dot_dimension_numbers<[1], [0], [0], [1], [0, 0, 1, 1], [], []>, transpose_lhs_hint = false} : vector<256x96xf32>, vector<96x128xf32>, vector<256x128xf32> -> vector<256x128xf32>
    %get3A_84 = arith.constant 0 : index
    %get3A_85 = arith.constant 0 : index
    %get3A_86 = vector.load %arg9[%get3A_84, %get3A_85] : memref<1x128xf32, #tpu.memory_space<vmem>>, vector<1x128xf32>
    %add3A_87 = vector.broadcast %get3A_86 : vector<1x128xf32> to vector<256x128xf32>
    %add3A_88 = arith.addf %dot_general3A_83, %add3A_87 : vector<256x128xf32>
    %swap3A_89 = arith.constant 0 : index
    %swap3A_90 = arith.constant 0 : index
    %swap3A_91 = vector.load %arg12[%swap3A_89, %swap3A_90] : memref<256x128xf32, #tpu.memory_space<vmem>>, vector<256x128xf32>
    tpu.vector_store %arg12[%swap3A_89, %swap3A_90], %add3A_88 {strides = array<i32>} : memref<256x128xf32, #tpu.memory_space<vmem>>, vector<256x128xf32>,
    return
  }
  func.func @transform_0(%arg0: i32) -> (i32, i32) {
    %c0_i32 = arith.constant 0 : i32
    %c0_i32_0 = arith.constant 0 : i32
    return %arg0, %c0_i32 : i32, i32
  }
  func.func @transform_1(%arg0: i32) -> (i32, i32) {
    %c0_i32 = arith.constant 0 : i32
    %c0_i32_0 = arith.constant 0 : i32
    %c0_i32_1 = arith.constant 0 : i32
    return %c0_i32, %c0_i32_0 : i32, i32
  }
  func.func @transform_2(%arg0: i32) -> (i32, i32) {
    %c0_i32 = arith.constant 0 : i32
    %c0_i32_0 = arith.constant 0 : i32
    %c0_i32_1 = arith.constant 0 : i32
    return %c0_i32, %c0_i32_0 : i32, i32
  }
  func.func @transform_3(%arg0: i32) -> (i32, i32) {
    %c0_i32 = arith.constant 0 : i32
    %c0_i32_0 = arith.constant 0 : i32
    %c0_i32_1 = arith.constant 0 : i32
    return %c0_i32, %c0_i32_0 : i32, i32
  }
  func.func @transform_4(%arg0: i32) -> (i32, i32) {
    %c0_i32 = arith.constant 0 : i32
    %c0_i32_0 = arith.constant 0 : i32
    %c0_i32_1 = arith.constant 0 : i32
    return %c0_i32, %c0_i32_0 : i32, i32
  }
  func.func @transform_5(%arg0: i32) -> (i32, i32) {
    %c0_i32 = arith.constant 0 : i32
    %c0_i32_0 = arith.constant 0 : i32
    %c0_i32_1 = arith.constant 0 : i32
    return %c0_i32, %c0_i32_0 : i32, i32
  }
  func.func @transform_6(%arg0: i32) -> (i32, i32) {
    %c0_i32 = arith.constant 0 : i32
    %c0_i32_0 = arith.constant 0 : i32
    %c0_i32_1 = arith.constant 0 : i32
    return %c0_i32, %c0_i32_0 : i32, i32
  }
  func.func @transform_7(%arg0: i32) -> (i32, i32) {
    %c0_i32 = arith.constant 0 : i32
    %c0_i32_0 = arith.constant 0 : i32
    %c0_i32_1 = arith.constant 0 : i32
    return %c0_i32, %c0_i32_0 : i32, i32
  }
  func.func @transform_8(%arg0: i32) -> (i32, i32) {
    %c0_i32 = arith.constant 0 : i32
    %c0_i32_0 = arith.constant 0 : i32
    %c0_i32_1 = arith.constant 0 : i32
    return %c0_i32, %c0_i32_0 : i32, i32
  }
  func.func @transform_9(%arg0: i32) -> (i32, i32) {
    %c0_i32 = arith.constant 0 : i32
    %c0_i32_0 = arith.constant 0 : i32
    return %arg0, %c0_i32 : i32, i32
  }
  func.func @transform_10(%arg0: i32) -> (i32, i32) {
    %c0_i32 = arith.constant 0 : i32
    %c0_i32_0 = arith.constant 0 : i32
    %c0_i32_1 = arith.constant 0 : i32
    return %c0_i32, %c0_i32_0 : i32, i32
  }
  func.func @transform_11(%arg0: i32) -> (i32, i32) {
    %c0_i32 = arith.constant 0 : i32
    %c0_i32_0 = arith.constant 0 : i32
    return %arg0, %c0_i32 : i32, i32
  }
}

module attributes {stable_mosaic.version = 14 : i64} {
  func.func @_kf_body(%arg0: memref<512x320xf32, #tpu.memory_space<vmem>>, %arg1: memref<1x320xf32, #tpu.memory_space<vmem>>, %arg2: memref<1x320xf32, #tpu.memory_space<vmem>>, %arg3: memref<1x320xf32, #tpu.memory_space<vmem>>, %arg4: memref<320x128xf32, #tpu.memory_space<vmem>>, %arg5: memref<1x128xf32, #tpu.memory_space<vmem>>, %arg6: memref<512x128xf32, #tpu.memory_space<vmem>>) attributes {dimension_semantics = [], scalar_prefetch = 0 : i64, scratch_operands = 0 : i64, tpu.core_type = #tpu.core_type<tc>} {
    %get3A = arith.constant 0 : index
    %get3A_0 = arith.constant 0 : index
    %get3A_1 = vector.load %arg0[%get3A, %get3A_0] : memref<512x320xf32, #tpu.memory_space<vmem>>, vector<512x320xf32>
    %get3A_2 = arith.constant 0 : index
    %get3A_3 = arith.constant 0 : index
    %get3A_4 = vector.load %arg1[%get3A_2, %get3A_3] : memref<1x320xf32, #tpu.memory_space<vmem>>, vector<1x320xf32>
    %add3A = vector.broadcast %get3A_4 : vector<1x320xf32> to vector<512x320xf32>
    %add3A_5 = arith.addf %get3A_1, %add3A : vector<512x320xf32>
    %get3A_6 = arith.constant 0 : index
    %get3A_7 = arith.constant 0 : index
    %get3A_8 = vector.load %arg2[%get3A_6, %get3A_7] : memref<1x320xf32, #tpu.memory_space<vmem>>, vector<1x320xf32>
    %get3A_9 = arith.constant 0 : index
    %get3A_10 = arith.constant 0 : index
    %get3A_11 = vector.load %arg3[%get3A_9, %get3A_10] : memref<1x320xf32, #tpu.memory_space<vmem>>, vector<1x320xf32>
    %reduce_sum3A = arith.constant dense<0.000000e+00> : vector<512xf32>
    %reduce_sum3A_12 = vector.multi_reduction <add>, %add3A_5, %reduce_sum3A [1] : vector<512x320xf32> to vector<512xf32>
    %broadcast_in_dim3A = vector.shape_cast %reduce_sum3A_12 : vector<512xf32> to vector<512x1xf32>
    %div3A = arith.constant 3.200000e+02 : f32
    %div3A_13 = vector.broadcast %div3A : f32 to vector<512x1xf32>
    %div3A_14 = arith.divf %broadcast_in_dim3A, %div3A_13 : vector<512x1xf32>
    %jit3A = arith.constant 0 : i32
    %reduce_sum3A_15 = arith.constant dense<0.000000e+00> : vector<512xf32>
    %reduce_sum3A_16 = vector.multi_reduction <add>, %add3A_5, %reduce_sum3A_15 [1] : vector<512x320xf32> to vector<512xf32>
    %broadcast_in_dim3A_17 = vector.shape_cast %reduce_sum3A_16 : vector<512xf32> to vector<512x1xf32>
    %div3A_18 = arith.constant 3.200000e+02 : f32
    %div3A_19 = vector.broadcast %div3A_18 : f32 to vector<512x1xf32>
    %div3A_20 = arith.divf %broadcast_in_dim3A_17, %div3A_19 : vector<512x1xf32>
    %sub3A = vector.broadcast %div3A_20 : vector<512x1xf32> to vector<512x320xf32>
    %sub3A_21 = arith.subf %add3A_5, %sub3A : vector<512x320xf32>
    %square3A = arith.mulf %sub3A_21, %sub3A_21 : vector<512x320xf32>
    %convert_element_type3A = arith.sitofp %jit3A : i32 to f32
    %sub3A_22 = arith.constant 3.200000e+02 : f32
    %sub3A_23 = arith.subf %sub3A_22, %convert_element_type3A : f32
    %reduce_sum3A_24 = arith.constant dense<0.000000e+00> : vector<512xf32>
    %reduce_sum3A_25 = vector.multi_reduction <add>, %square3A, %reduce_sum3A_24 [1] : vector<512x320xf32> to vector<512xf32>
    %broadcast_in_dim3A_26 = vector.shape_cast %reduce_sum3A_25 : vector<512xf32> to vector<512x1xf32>
    %div3A_27 = vector.broadcast %sub3A_23 : f32 to vector<512x1xf32>
    %div3A_28 = arith.divf %broadcast_in_dim3A_26, %div3A_27 : vector<512x1xf32>
    %gt3A = arith.constant 0.000000e+00 : f32
    %gt3A_29 = arith.cmpf ogt, %sub3A_23, %gt3A : f32
    %jit3A_30 = arith.constant 0x7FC00000 : f32
    %broadcast_in_dim3A_31 = vector.broadcast %jit3A_30 : f32 to vector<512x1xf32>
    %select_n3A = arith.select %gt3A_29, %div3A_28, %broadcast_in_dim3A_31 : vector<512x1xf32>
    %sub3A_32 = vector.broadcast %div3A_14 : vector<512x1xf32> to vector<512x320xf32>
    %sub3A_33 = arith.subf %add3A_5, %sub3A_32 : vector<512x320xf32>
    %add3A_34 = arith.constant 9.99999974E-6 : f32
    %add3A_35 = vector.broadcast %add3A_34 : f32 to vector<512x1xf32>
    %add3A_36 = arith.addf %select_n3A, %add3A_35 : vector<512x1xf32>
    %sqrt3A = math.sqrt %add3A_36 : vector<512x1xf32>
    %div3A_37 = vector.broadcast %sqrt3A : vector<512x1xf32> to vector<512x320xf32>
    %div3A_38 = arith.divf %sub3A_33, %div3A_37 : vector<512x320xf32>
    %mul3A = vector.broadcast %get3A_8 : vector<1x320xf32> to vector<512x320xf32>
    %mul3A_39 = arith.mulf %div3A_38, %mul3A : vector<512x320xf32>
    %add3A_40 = vector.broadcast %get3A_11 : vector<1x320xf32> to vector<512x320xf32>
    %add3A_41 = arith.addf %mul3A_39, %add3A_40 : vector<512x320xf32>
    %custom_jvp_call3A = arith.constant 0.000000e+00 : f32
    %max3A = vector.broadcast %custom_jvp_call3A : f32 to vector<512x320xf32>
    %max3A_42 = arith.maximumf %add3A_41, %max3A : vector<512x320xf32>
    %sub3A_43 = vector.broadcast %custom_jvp_call3A : f32 to vector<512x320xf32>
    %sub3A_44 = arith.subf %add3A_41, %sub3A_43 : vector<512x320xf32>
    %ne3A = arith.cmpf one, %sub3A_44, %sub3A_44 : vector<512x320xf32>
    %add3A_45 = vector.broadcast %custom_jvp_call3A : f32 to vector<512x320xf32>
    %add3A_46 = arith.addf %add3A_41, %add3A_45 : vector<512x320xf32>
    %abs3A = math.absf %sub3A_44 : vector<512x320xf32>
    %neg3A = arith.constant 0.000000e+00 : f32
    %neg3A_47 = vector.broadcast %neg3A : f32 to vector<512x320xf32>
    %neg3A_48 = arith.subf %neg3A_47, %abs3A : vector<512x320xf32>
    %exp3A = math.exp %neg3A_48 : vector<512x320xf32>
    %log1p3A = math.log1p %exp3A : vector<512x320xf32>
    %add3A_49 = arith.addf %max3A_42, %log1p3A : vector<512x320xf32>
    %select_n3A_50 = arith.select %ne3A, %add3A_46, %add3A_49 : vector<512x320xi1>, vector<512x320xf32>
    %tanh3A = math.tanh %select_n3A_50 : vector<512x320xf32>
    %mul3A_51 = arith.mulf %add3A_41, %tanh3A : vector<512x320xf32>
    %get3A_52 = arith.constant 0 : index
    %get3A_53 = arith.constant 0 : index
    %get3A_54 = vector.load %arg4[%get3A_52, %get3A_53] : memref<320x128xf32, #tpu.memory_space<vmem>>, vector<320x128xf32>
    %dot_general3A = arith.constant dense<0.000000e+00> : vector<512x128xf32>
    %dot_general3A_55 = tpu.matmul %mul3A_51, %get3A_54, %dot_general3A {dimension_numbers = #tpu.dot_dimension_numbers<[1], [0], [0], [1], [0, 0, 1, 1], [], []>, transpose_lhs_hint = false} : vector<512x320xf32>, vector<320x128xf32>, vector<512x128xf32> -> vector<512x128xf32>
    %get3A_56 = arith.constant 0 : index
    %get3A_57 = arith.constant 0 : index
    %get3A_58 = vector.load %arg5[%get3A_56, %get3A_57] : memref<1x128xf32, #tpu.memory_space<vmem>>, vector<1x128xf32>
    %add3A_59 = vector.broadcast %get3A_58 : vector<1x128xf32> to vector<512x128xf32>
    %add3A_60 = arith.addf %dot_general3A_55, %add3A_59 : vector<512x128xf32>
    %swap3A = arith.constant 0 : index
    %swap3A_61 = arith.constant 0 : index
    %swap3A_62 = vector.load %arg6[%swap3A, %swap3A_61] : memref<512x128xf32, #tpu.memory_space<vmem>>, vector<512x128xf32>
    tpu.vector_store %arg6[%swap3A, %swap3A_61], %add3A_60 {strides = array<i32>} : memref<512x128xf32, #tpu.memory_space<vmem>>, vector<512x128xf32>,
    return
  }
}

module attributes {stable_mosaic.version = 14 : i64} {
  func.func @_sort_body(%arg0: i32, %arg1: memref<153xi32, #tpu.memory_space<smem>>, %arg2: memref<153xi32, #tpu.memory_space<smem>>, %arg3: memref<153xi32, #tpu.memory_space<smem>>, %arg4: memref<1024x128xf32, #tpu.memory_space<vmem>>, %arg5: memref<7x128x128xf32, #tpu.memory_space<vmem>>, %arg6: memref<1024x128xf32, #tpu.memory_space<vmem>>, %arg7: memref<1024x128xf32, #tpu.memory_space<vmem>>, %arg8: memref<1024x128xf32, #tpu.memory_space<vmem>>, %arg9: memref<1024x128xf32, #tpu.memory_space<vmem>>, %arg10: memref<1024x128xf32, #tpu.memory_space<vmem>>) attributes {dimension_semantics = [#tpu.dimension_semantics<arbitrary>], iteration_bounds = array<i64: 153>, scalar_prefetch = 3 : i64, scratch_operands = 4 : i64, tpu.core_type = #tpu.core_type<tc>, window_params = [{pipeline_mode = #tpu.pipeline_mode<synchronous>, transform_indices = @transform_0, window_bounds = array<i64: 1024, 128>}, {pipeline_mode = #tpu.pipeline_mode<synchronous>, transform_indices = @transform_1, window_bounds = array<i64: 7, 128, 128>}, {pipeline_mode = #tpu.pipeline_mode<synchronous>, transform_indices = @transform_2, window_bounds = array<i64: 1024, 128>}]} {
    %iota3A = tpu.iota {dimensions = array<i32: 0>} : vector<1024x128xi32>
    %iota3A_0 = tpu.iota {dimensions = array<i32: 1>} : vector<1024x128xi32>
    %eq3A = arith.constant 0 : i32
    %eq3A_1 = arith.cmpi eq, %arg0, %eq3A : i32
    %convert_element_type3A = arith.extui %eq3A_1 : i1 to i32
    %cond3A = arith.constant 0 : i32
    %cond3A_2 = arith.cmpi ne, %convert_element_type3A, %cond3A : i32
    scf.if %cond3A_2 {
      %get3A_103 = arith.constant 0 : index
      %get3A_104 = arith.constant 0 : index
      %get3A_105 = vector.load %arg4[%get3A_103, %get3A_104] : memref<1024x128xf32, #tpu.memory_space<vmem>>, vector<1024x128xf32>
      %swap3A_106 = arith.constant 0 : index
      %swap3A_107 = arith.constant 0 : index
      %swap3A_108 = vector.load %arg7[%swap3A_106, %swap3A_107] : memref<1024x128xf32, #tpu.memory_space<vmem>>, vector<1024x128xf32>
      tpu.vector_store %arg7[%swap3A_106, %swap3A_107], %get3A_105 {strides = array<i32>} : memref<1024x128xf32, #tpu.memory_space<vmem>>, vector<1024x128xf32>,
      %mul3A_109 = arith.constant 128 : i32
      %mul3A_110 = vector.broadcast %mul3A_109 : i32 to vector<1024x128xi32>
      %mul3A_111 = arith.muli %iota3A, %mul3A_110 : vector<1024x128xi32>
      %add3A_112 = arith.addi %mul3A_111, %iota3A_0 : vector<1024x128xi32>
      %convert_element_type3A_113 = arith.sitofp %add3A_112 : vector<1024x128xi32> to vector<1024x128xf32>
      %swap3A_114 = arith.constant 0 : index
      %swap3A_115 = arith.constant 0 : index
      %swap3A_116 = vector.load %arg8[%swap3A_114, %swap3A_115] : memref<1024x128xf32, #tpu.memory_space<vmem>>, vector<1024x128xf32>
      tpu.vector_store %arg8[%swap3A_114, %swap3A_115], %convert_element_type3A_113 {strides = array<i32>} : memref<1024x128xf32, #tpu.memory_space<vmem>>, vector<1024x128xf32>,
    } else {
    }
    %get3A = arith.index_cast %arg0 : i32 to index
    %get3A_3 = memref.load %arg1[%get3A] : memref<153xi32, #tpu.memory_space<smem>>
    %get3A_4 = arith.index_cast %arg0 : i32 to index
    %get3A_5 = memref.load %arg2[%get3A_4] : memref<153xi32, #tpu.memory_space<smem>>
    %get3A_6 = arith.index_cast %arg0 : i32 to index
    %get3A_7 = memref.load %arg3[%get3A_6] : memref<153xi32, #tpu.memory_space<smem>>
    %eq3A_8 = arith.constant 1 : i32
    %eq3A_9 = arith.cmpi eq, %get3A_5, %eq3A_8 : i32
    %convert_element_type3A_10 = arith.extui %eq3A_9 : i1 to i32
    %cond3A_11 = arith.constant 0 : i32
    %cond3A_12 = arith.cmpi ne, %convert_element_type3A_10, %cond3A_11 : i32
    scf.if %cond3A_12 {
      %get3A_103 = arith.constant 0 : index
      %get3A_104 = arith.constant 0 : index
      %get3A_105 = vector.load %arg7[%get3A_103, %get3A_104] : memref<1024x128xf32, #tpu.memory_space<vmem>>, vector<1024x128xf32>
      %reshape3A = vector.shape_cast %get3A_105 : vector<1024x128xf32> to vector<512x2x128xf32>
      %get3A_106 = arith.constant 0 : index
      %get3A_107 = arith.constant 0 : index
      %get3A_108 = vector.load %arg8[%get3A_106, %get3A_107] : memref<1024x128xf32, #tpu.memory_space<vmem>>, vector<1024x128xf32>
      %reshape3A_109 = vector.shape_cast %get3A_108 : vector<1024x128xf32> to vector<512x2x128xf32>
      %slice3A = vector.extract_strided_slice %reshape3A {offsets = [0, 1, 0], sizes = [512, 1, 128], strides = [1, 1, 1]} : vector<512x2x128xf32> to vector<512x1x128xf32>
      %slice3A_110 = vector.extract_strided_slice %reshape3A {offsets = [0, 0, 0], sizes = [512, 1, 128], strides = [1, 1, 1]} : vector<512x2x128xf32> to vector<512x1x128xf32>
      %concatenate3A = tpu.concatenate %slice3A, %slice3A_110 in 1 : vector<512x1x128xf32>, vector<512x1x128xf32> -> vector<512x2x128xf32>
      %reshape3A_111 = vector.shape_cast %concatenate3A : vector<512x2x128xf32> to vector<1024x128xf32>
      %swap3A_112 = arith.constant 0 : index
      %swap3A_113 = arith.constant 0 : index
      %swap3A_114 = vector.load %arg9[%swap3A_112, %swap3A_113] : memref<1024x128xf32, #tpu.memory_space<vmem>>, vector<1024x128xf32>
      tpu.vector_store %arg9[%swap3A_112, %swap3A_113], %reshape3A_111 {strides = array<i32>} : memref<1024x128xf32, #tpu.memory_space<vmem>>, vector<1024x128xf32>,
      %slice3A_115 = vector.extract_strided_slice %reshape3A_109 {offsets = [0, 1, 0], sizes = [512, 1, 128], strides = [1, 1, 1]} : vector<512x2x128xf32> to vector<512x1x128xf32>
      %slice3A_116 = vector.extract_strided_slice %reshape3A_109 {offsets = [0, 0, 0], sizes = [512, 1, 128], strides = [1, 1, 1]} : vector<512x2x128xf32> to vector<512x1x128xf32>
      %concatenate3A_117 = tpu.concatenate %slice3A_115, %slice3A_116 in 1 : vector<512x1x128xf32>, vector<512x1x128xf32> -> vector<512x2x128xf32>
      %reshape3A_118 = vector.shape_cast %concatenate3A_117 : vector<512x2x128xf32> to vector<1024x128xf32>
      %swap3A_119 = arith.constant 0 : index
      %swap3A_120 = arith.constant 0 : index
      %swap3A_121 = vector.load %arg10[%swap3A_119, %swap3A_120] : memref<1024x128xf32, #tpu.memory_space<vmem>>, vector<1024x128xf32>
      tpu.vector_store %arg10[%swap3A_119, %swap3A_120], %reshape3A_118 {strides = array<i32>} : memref<1024x128xf32, #tpu.memory_space<vmem>>, vector<1024x128xf32>,
    } else {
    }
    %eq3A_13 = arith.constant 2 : i32
    %eq3A_14 = arith.cmpi eq, %get3A_5, %eq3A_13 : i32
    %convert_element_type3A_15 = arith.extui %eq3A_14 : i1 to i32
    %cond3A_16 = arith.constant 0 : i32
    %cond3A_17 = arith.cmpi ne, %convert_element_type3A_15, %cond3A_16 : i32
    scf.if %cond3A_17 {
      %get3A_103 = arith.constant 0 : index
      %get3A_104 = arith.constant 0 : index
      %get3A_105 = vector.load %arg7[%get3A_103, %get3A_104] : memref<1024x128xf32, #tpu.memory_space<vmem>>, vector<1024x128xf32>
      %reshape3A = vector.shape_cast %get3A_105 : vector<1024x128xf32> to vector<256x4x128xf32>
      %get3A_106 = arith.constant 0 : index
      %get3A_107 = arith.constant 0 : index
      %get3A_108 = vector.load %arg8[%get3A_106, %get3A_107] : memref<1024x128xf32, #tpu.memory_space<vmem>>, vector<1024x128xf32>
      %reshape3A_109 = vector.shape_cast %get3A_108 : vector<1024x128xf32> to vector<256x4x128xf32>
      %slice3A = vector.extract_strided_slice %reshape3A {offsets = [0, 2, 0], sizes = [256, 2, 128], strides = [1, 1, 1]} : vector<256x4x128xf32> to vector<256x2x128xf32>
      %slice3A_110 = vector.extract_strided_slice %reshape3A {offsets = [0, 0, 0], sizes = [256, 2, 128], strides = [1, 1, 1]} : vector<256x4x128xf32> to vector<256x2x128xf32>
      %concatenate3A = tpu.concatenate %slice3A, %slice3A_110 in 1 : vector<256x2x128xf32>, vector<256x2x128xf32> -> vector<256x4x128xf32>
      %reshape3A_111 = vector.shape_cast %concatenate3A : vector<256x4x128xf32> to vector<1024x128xf32>
      %swap3A_112 = arith.constant 0 : index
      %swap3A_113 = arith.constant 0 : index
      %swap3A_114 = vector.load %arg9[%swap3A_112, %swap3A_113] : memref<1024x128xf32, #tpu.memory_space<vmem>>, vector<1024x128xf32>
      tpu.vector_store %arg9[%swap3A_112, %swap3A_113], %reshape3A_111 {strides = array<i32>} : memref<1024x128xf32, #tpu.memory_space<vmem>>, vector<1024x128xf32>,
      %slice3A_115 = vector.extract_strided_slice %reshape3A_109 {offsets = [0, 2, 0], sizes = [256, 2, 128], strides = [1, 1, 1]} : vector<256x4x128xf32> to vector<256x2x128xf32>
      %slice3A_116 = vector.extract_strided_slice %reshape3A_109 {offsets = [0, 0, 0], sizes = [256, 2, 128], strides = [1, 1, 1]} : vector<256x4x128xf32> to vector<256x2x128xf32>
      %concatenate3A_117 = tpu.concatenate %slice3A_115, %slice3A_116 in 1 : vector<256x2x128xf32>, vector<256x2x128xf32> -> vector<256x4x128xf32>
      %reshape3A_118 = vector.shape_cast %concatenate3A_117 : vector<256x4x128xf32> to vector<1024x128xf32>
      %swap3A_119 = arith.constant 0 : index
      %swap3A_120 = arith.constant 0 : index
      %swap3A_121 = vector.load %arg10[%swap3A_119, %swap3A_120] : memref<1024x128xf32, #tpu.memory_space<vmem>>, vector<1024x128xf32>
      tpu.vector_store %arg10[%swap3A_119, %swap3A_120], %reshape3A_118 {strides = array<i32>} : memref<1024x128xf32, #tpu.memory_space<vmem>>, vector<1024x128xf32>,
    } else {
    }
    %eq3A_18 = arith.constant 4 : i32
    %eq3A_19 = arith.cmpi eq, %get3A_5, %eq3A_18 : i32
    %convert_element_type3A_20 = arith.extui %eq3A_19 : i1 to i32
    %cond3A_21 = arith.constant 0 : i32
    %cond3A_22 = arith.cmpi ne, %convert_element_type3A_20, %cond3A_21 : i32
    scf.if %cond3A_22 {
      %get3A_103 = arith.constant 0 : index
      %get3A_104 = arith.constant 0 : index
      %get3A_105 = vector.load %arg7[%get3A_103, %get3A_104] : memref<1024x128xf32, #tpu.memory_space<vmem>>, vector<1024x128xf32>
      %reshape3A = vector.shape_cast %get3A_105 : vector<1024x128xf32> to vector<128x8x128xf32>
      %get3A_106 = arith.constant 0 : index
      %get3A_107 = arith.constant 0 : index
      %get3A_108 = vector.load %arg8[%get3A_106, %get3A_107] : memref<1024x128xf32, #tpu.memory_space<vmem>>, vector<1024x128xf32>
      %reshape3A_109 = vector.shape_cast %get3A_108 : vector<1024x128xf32> to vector<128x8x128xf32>
      %slice3A = vector.extract_strided_slice %reshape3A {offsets = [0, 4, 0], sizes = [128, 4, 128], strides = [1, 1, 1]} : vector<128x8x128xf32> to vector<128x4x128xf32>
      %slice3A_110 = vector.extract_strided_slice %reshape3A {offsets = [0, 0, 0], sizes = [128, 4, 128], strides = [1, 1, 1]} : vector<128x8x128xf32> to vector<128x4x128xf32>
      %concatenate3A = tpu.concatenate %slice3A, %slice3A_110 in 1 : vector<128x4x128xf32>, vector<128x4x128xf32> -> vector<128x8x128xf32>
      %reshape3A_111 = vector.shape_cast %concatenate3A : vector<128x8x128xf32> to vector<1024x128xf32>
      %swap3A_112 = arith.constant 0 : index
      %swap3A_113 = arith.constant 0 : index
      %swap3A_114 = vector.load %arg9[%swap3A_112, %swap3A_113] : memref<1024x128xf32, #tpu.memory_space<vmem>>, vector<1024x128xf32>
      tpu.vector_store %arg9[%swap3A_112, %swap3A_113], %reshape3A_111 {strides = array<i32>} : memref<1024x128xf32, #tpu.memory_space<vmem>>, vector<1024x128xf32>,
      %slice3A_115 = vector.extract_strided_slice %reshape3A_109 {offsets = [0, 4, 0], sizes = [128, 4, 128], strides = [1, 1, 1]} : vector<128x8x128xf32> to vector<128x4x128xf32>
      %slice3A_116 = vector.extract_strided_slice %reshape3A_109 {offsets = [0, 0, 0], sizes = [128, 4, 128], strides = [1, 1, 1]} : vector<128x8x128xf32> to vector<128x4x128xf32>
      %concatenate3A_117 = tpu.concatenate %slice3A_115, %slice3A_116 in 1 : vector<128x4x128xf32>, vector<128x4x128xf32> -> vector<128x8x128xf32>
      %reshape3A_118 = vector.shape_cast %concatenate3A_117 : vector<128x8x128xf32> to vector<1024x128xf32>
      %swap3A_119 = arith.constant 0 : index
      %swap3A_120 = arith.constant 0 : index
      %swap3A_121 = vector.load %arg10[%swap3A_119, %swap3A_120] : memref<1024x128xf32, #tpu.memory_space<vmem>>, vector<1024x128xf32>
      tpu.vector_store %arg10[%swap3A_119, %swap3A_120], %reshape3A_118 {strides = array<i32>} : memref<1024x128xf32, #tpu.memory_space<vmem>>, vector<1024x128xf32>,
    } else {
    }
    %eq3A_23 = arith.constant 8 : i32
    %eq3A_24 = arith.cmpi eq, %get3A_5, %eq3A_23 : i32
    %convert_element_type3A_25 = arith.extui %eq3A_24 : i1 to i32
    %cond3A_26 = arith.constant 0 : i32
    %cond3A_27 = arith.cmpi ne, %convert_element_type3A_25, %cond3A_26 : i32
    scf.if %cond3A_27 {
      %get3A_103 = arith.constant 0 : index
      %get3A_104 = arith.constant 0 : index
      %get3A_105 = vector.load %arg7[%get3A_103, %get3A_104] : memref<1024x128xf32, #tpu.memory_space<vmem>>, vector<1024x128xf32>
      %reshape3A = vector.shape_cast %get3A_105 : vector<1024x128xf32> to vector<64x16x128xf32>
      %get3A_106 = arith.constant 0 : index
      %get3A_107 = arith.constant 0 : index
      %get3A_108 = vector.load %arg8[%get3A_106, %get3A_107] : memref<1024x128xf32, #tpu.memory_space<vmem>>, vector<1024x128xf32>
      %reshape3A_109 = vector.shape_cast %get3A_108 : vector<1024x128xf32> to vector<64x16x128xf32>
      %slice3A = vector.extract_strided_slice %reshape3A {offsets = [0, 8, 0], sizes = [64, 8, 128], strides = [1, 1, 1]} : vector<64x16x128xf32> to vector<64x8x128xf32>
      %slice3A_110 = vector.extract_strided_slice %reshape3A {offsets = [0, 0, 0], sizes = [64, 8, 128], strides = [1, 1, 1]} : vector<64x16x128xf32> to vector<64x8x128xf32>
      %concatenate3A = tpu.concatenate %slice3A, %slice3A_110 in 1 : vector<64x8x128xf32>, vector<64x8x128xf32> -> vector<64x16x128xf32>
      %reshape3A_111 = vector.shape_cast %concatenate3A : vector<64x16x128xf32> to vector<1024x128xf32>
      %swap3A_112 = arith.constant 0 : index
      %swap3A_113 = arith.constant 0 : index
      %swap3A_114 = vector.load %arg9[%swap3A_112, %swap3A_113] : memref<1024x128xf32, #tpu.memory_space<vmem>>, vector<1024x128xf32>
      tpu.vector_store %arg9[%swap3A_112, %swap3A_113], %reshape3A_111 {strides = array<i32>} : memref<1024x128xf32, #tpu.memory_space<vmem>>, vector<1024x128xf32>,
      %slice3A_115 = vector.extract_strided_slice %reshape3A_109 {offsets = [0, 8, 0], sizes = [64, 8, 128], strides = [1, 1, 1]} : vector<64x16x128xf32> to vector<64x8x128xf32>
      %slice3A_116 = vector.extract_strided_slice %reshape3A_109 {offsets = [0, 0, 0], sizes = [64, 8, 128], strides = [1, 1, 1]} : vector<64x16x128xf32> to vector<64x8x128xf32>
      %concatenate3A_117 = tpu.concatenate %slice3A_115, %slice3A_116 in 1 : vector<64x8x128xf32>, vector<64x8x128xf32> -> vector<64x16x128xf32>
      %reshape3A_118 = vector.shape_cast %concatenate3A_117 : vector<64x16x128xf32> to vector<1024x128xf32>
      %swap3A_119 = arith.constant 0 : index
      %swap3A_120 = arith.constant 0 : index
      %swap3A_121 = vector.load %arg10[%swap3A_119, %swap3A_120] : memref<1024x128xf32, #tpu.memory_space<vmem>>, vector<1024x128xf32>
      tpu.vector_store %arg10[%swap3A_119, %swap3A_120], %reshape3A_118 {strides = array<i32>} : memref<1024x128xf32, #tpu.memory_space<vmem>>, vector<1024x128xf32>,
    } else {
    }
    %eq3A_28 = arith.constant 16 : i32
    %eq3A_29 = arith.cmpi eq, %get3A_5, %eq3A_28 : i32
    %convert_element_type3A_30 = arith.extui %eq3A_29 : i1 to i32
    %cond3A_31 = arith.constant 0 : i32
    %cond3A_32 = arith.cmpi ne, %convert_element_type3A_30, %cond3A_31 : i32
    scf.if %cond3A_32 {
      %get3A_103 = arith.constant 0 : index
      %get3A_104 = arith.constant 0 : index
      %get3A_105 = vector.load %arg7[%get3A_103, %get3A_104] : memref<1024x128xf32, #tpu.memory_space<vmem>>, vector<1024x128xf32>
      %reshape3A = vector.shape_cast %get3A_105 : vector<1024x128xf32> to vector<32x32x128xf32>
      %get3A_106 = arith.constant 0 : index
      %get3A_107 = arith.constant 0 : index
      %get3A_108 = vector.load %arg8[%get3A_106, %get3A_107] : memref<1024x128xf32, #tpu.memory_space<vmem>>, vector<1024x128xf32>
      %reshape3A_109 = vector.shape_cast %get3A_108 : vector<1024x128xf32> to vector<32x32x128xf32>
      %slice3A = vector.extract_strided_slice %reshape3A {offsets = [0, 16, 0], sizes = [32, 16, 128], strides = [1, 1, 1]} : vector<32x32x128xf32> to vector<32x16x128xf32>
      %slice3A_110 = vector.extract_strided_slice %reshape3A {offsets = [0, 0, 0], sizes = [32, 16, 128], strides = [1, 1, 1]} : vector<32x32x128xf32> to vector<32x16x128xf32>
      %concatenate3A = tpu.concatenate %slice3A, %slice3A_110 in 1 : vector<32x16x128xf32>, vector<32x16x128xf32> -> vector<32x32x128xf32>
      %reshape3A_111 = vector.shape_cast %concatenate3A : vector<32x32x128xf32> to vector<1024x128xf32>
      %swap3A_112 = arith.constant 0 : index
      %swap3A_113 = arith.constant 0 : index
      %swap3A_114 = vector.load %arg9[%swap3A_112, %swap3A_113] : memref<1024x128xf32, #tpu.memory_space<vmem>>, vector<1024x128xf32>
      tpu.vector_store %arg9[%swap3A_112, %swap3A_113], %reshape3A_111 {strides = array<i32>} : memref<1024x128xf32, #tpu.memory_space<vmem>>, vector<1024x128xf32>,
      %slice3A_115 = vector.extract_strided_slice %reshape3A_109 {offsets = [0, 16, 0], sizes = [32, 16, 128], strides = [1, 1, 1]} : vector<32x32x128xf32> to vector<32x16x128xf32>
      %slice3A_116 = vector.extract_strided_slice %reshape3A_109 {offsets = [0, 0, 0], sizes = [32, 16, 128], strides = [1, 1, 1]} : vector<32x32x128xf32> to vector<32x16x128xf32>
      %concatenate3A_117 = tpu.concatenate %slice3A_115, %slice3A_116 in 1 : vector<32x16x128xf32>, vector<32x16x128xf32> -> vector<32x32x128xf32>
      %reshape3A_118 = vector.shape_cast %concatenate3A_117 : vector<32x32x128xf32> to vector<1024x128xf32>
      %swap3A_119 = arith.constant 0 : index
      %swap3A_120 = arith.constant 0 : index
      %swap3A_121 = vector.load %arg10[%swap3A_119, %swap3A_120] : memref<1024x128xf32, #tpu.memory_space<vmem>>, vector<1024x128xf32>
      tpu.vector_store %arg10[%swap3A_119, %swap3A_120], %reshape3A_118 {strides = array<i32>} : memref<1024x128xf32, #tpu.memory_space<vmem>>, vector<1024x128xf32>,
    } else {
    }
    %eq3A_33 = arith.constant 32 : i32
    %eq3A_34 = arith.cmpi eq, %get3A_5, %eq3A_33 : i32
    %convert_element_type3A_35 = arith.extui %eq3A_34 : i1 to i32
    %cond3A_36 = arith.constant 0 : i32
    %cond3A_37 = arith.cmpi ne, %convert_element_type3A_35, %cond3A_36 : i32
    scf.if %cond3A_37 {
      %get3A_103 = arith.constant 0 : index
      %get3A_104 = arith.constant 0 : index
      %get3A_105 = vector.load %arg7[%get3A_103, %get3A_104] : memref<1024x128xf32, #tpu.memory_space<vmem>>, vector<1024x128xf32>
      %reshape3A = vector.shape_cast %get3A_105 : vector<1024x128xf32> to vector<16x64x128xf32>
      %get3A_106 = arith.constant 0 : index
      %get3A_107 = arith.constant 0 : index
      %get3A_108 = vector.load %arg8[%get3A_106, %get3A_107] : memref<1024x128xf32, #tpu.memory_space<vmem>>, vector<1024x128xf32>
      %reshape3A_109 = vector.shape_cast %get3A_108 : vector<1024x128xf32> to vector<16x64x128xf32>
      %slice3A = vector.extract_strided_slice %reshape3A {offsets = [0, 32, 0], sizes = [16, 32, 128], strides = [1, 1, 1]} : vector<16x64x128xf32> to vector<16x32x128xf32>
      %slice3A_110 = vector.extract_strided_slice %reshape3A {offsets = [0, 0, 0], sizes = [16, 32, 128], strides = [1, 1, 1]} : vector<16x64x128xf32> to vector<16x32x128xf32>
      %concatenate3A = tpu.concatenate %slice3A, %slice3A_110 in 1 : vector<16x32x128xf32>, vector<16x32x128xf32> -> vector<16x64x128xf32>
      %reshape3A_111 = vector.shape_cast %concatenate3A : vector<16x64x128xf32> to vector<1024x128xf32>
      %swap3A_112 = arith.constant 0 : index
      %swap3A_113 = arith.constant 0 : index
      %swap3A_114 = vector.load %arg9[%swap3A_112, %swap3A_113] : memref<1024x128xf32, #tpu.memory_space<vmem>>, vector<1024x128xf32>
      tpu.vector_store %arg9[%swap3A_112, %swap3A_113], %reshape3A_111 {strides = array<i32>} : memref<1024x128xf32, #tpu.memory_space<vmem>>, vector<1024x128xf32>,
      %slice3A_115 = vector.extract_strided_slice %reshape3A_109 {offsets = [0, 32, 0], sizes = [16, 32, 128], strides = [1, 1, 1]} : vector<16x64x128xf32> to vector<16x32x128xf32>
      %slice3A_116 = vector.extract_strided_slice %reshape3A_109 {offsets = [0, 0, 0], sizes = [16, 32, 128], strides = [1, 1, 1]} : vector<16x64x128xf32> to vector<16x32x128xf32>
      %concatenate3A_117 = tpu.concatenate %slice3A_115, %slice3A_116 in 1 : vector<16x32x128xf32>, vector<16x32x128xf32> -> vector<16x64x128xf32>
      %reshape3A_118 = vector.shape_cast %concatenate3A_117 : vector<16x64x128xf32> to vector<1024x128xf32>
      %swap3A_119 = arith.constant 0 : index
      %swap3A_120 = arith.constant 0 : index
      %swap3A_121 = vector.load %arg10[%swap3A_119, %swap3A_120] : memref<1024x128xf32, #tpu.memory_space<vmem>>, vector<1024x128xf32>
      tpu.vector_store %arg10[%swap3A_119, %swap3A_120], %reshape3A_118 {strides = array<i32>} : memref<1024x128xf32, #tpu.memory_space<vmem>>, vector<1024x128xf32>,
    } else {
    }
    %eq3A_38 = arith.constant 64 : i32
    %eq3A_39 = arith.cmpi eq, %get3A_5, %eq3A_38 : i32
    %convert_element_type3A_40 = arith.extui %eq3A_39 : i1 to i32
    %cond3A_41 = arith.constant 0 : i32
    %cond3A_42 = arith.cmpi ne, %convert_element_type3A_40, %cond3A_41 : i32
    scf.if %cond3A_42 {
      %get3A_103 = arith.constant 0 : index
      %get3A_104 = arith.constant 0 : index
      %get3A_105 = vector.load %arg7[%get3A_103, %get3A_104] : memref<1024x128xf32, #tpu.memory_space<vmem>>, vector<1024x128xf32>
      %reshape3A = vector.shape_cast %get3A_105 : vector<1024x128xf32> to vector<8x128x128xf32>
      %get3A_106 = arith.constant 0 : index
      %get3A_107 = arith.constant 0 : index
      %get3A_108 = vector.load %arg8[%get3A_106, %get3A_107] : memref<1024x128xf32, #tpu.memory_space<vmem>>, vector<1024x128xf32>
      %reshape3A_109 = vector.shape_cast %get3A_108 : vector<1024x128xf32> to vector<8x128x128xf32>
      %slice3A = vector.extract_strided_slice %reshape3A {offsets = [0, 64, 0], sizes = [8, 64, 128], strides = [1, 1, 1]} : vector<8x128x128xf32> to vector<8x64x128xf32>
      %slice3A_110 = vector.extract_strided_slice %reshape3A {offsets = [0, 0, 0], sizes = [8, 64, 128], strides = [1, 1, 1]} : vector<8x128x128xf32> to vector<8x64x128xf32>
      %concatenate3A = tpu.concatenate %slice3A, %slice3A_110 in 1 : vector<8x64x128xf32>, vector<8x64x128xf32> -> vector<8x128x128xf32>
      %reshape3A_111 = vector.shape_cast %concatenate3A : vector<8x128x128xf32> to vector<1024x128xf32>
      %swap3A_112 = arith.constant 0 : index
      %swap3A_113 = arith.constant 0 : index
      %swap3A_114 = vector.load %arg9[%swap3A_112, %swap3A_113] : memref<1024x128xf32, #tpu.memory_space<vmem>>, vector<1024x128xf32>
      tpu.vector_store %arg9[%swap3A_112, %swap3A_113], %reshape3A_111 {strides = array<i32>} : memref<1024x128xf32, #tpu.memory_space<vmem>>, vector<1024x128xf32>,
      %slice3A_115 = vector.extract_strided_slice %reshape3A_109 {offsets = [0, 64, 0], sizes = [8, 64, 128], strides = [1, 1, 1]} : vector<8x128x128xf32> to vector<8x64x128xf32>
      %slice3A_116 = vector.extract_strided_slice %reshape3A_109 {offsets = [0, 0, 0], sizes = [8, 64, 128], strides = [1, 1, 1]} : vector<8x128x128xf32> to vector<8x64x128xf32>
      %concatenate3A_117 = tpu.concatenate %slice3A_115, %slice3A_116 in 1 : vector<8x64x128xf32>, vector<8x64x128xf32> -> vector<8x128x128xf32>
      %reshape3A_118 = vector.shape_cast %concatenate3A_117 : vector<8x128x128xf32> to vector<1024x128xf32>
      %swap3A_119 = arith.constant 0 : index
      %swap3A_120 = arith.constant 0 : index
      %swap3A_121 = vector.load %arg10[%swap3A_119, %swap3A_120] : memref<1024x128xf32, #tpu.memory_space<vmem>>, vector<1024x128xf32>
      tpu.vector_store %arg10[%swap3A_119, %swap3A_120], %reshape3A_118 {strides = array<i32>} : memref<1024x128xf32, #tpu.memory_space<vmem>>, vector<1024x128xf32>,
    } else {
    }
    %eq3A_43 = arith.constant 128 : i32
    %eq3A_44 = arith.cmpi eq, %get3A_5, %eq3A_43 : i32
    %convert_element_type3A_45 = arith.extui %eq3A_44 : i1 to i32
    %cond3A_46 = arith.constant 0 : i32
    %cond3A_47 = arith.cmpi ne, %convert_element_type3A_45, %cond3A_46 : i32
    scf.if %cond3A_47 {
      %get3A_103 = arith.constant 0 : index
      %get3A_104 = arith.constant 0 : index
      %get3A_105 = vector.load %arg7[%get3A_103, %get3A_104] : memref<1024x128xf32, #tpu.memory_space<vmem>>, vector<1024x128xf32>
      %reshape3A = vector.shape_cast %get3A_105 : vector<1024x128xf32> to vector<4x256x128xf32>
      %get3A_106 = arith.constant 0 : index
      %get3A_107 = arith.constant 0 : index
      %get3A_108 = vector.load %arg8[%get3A_106, %get3A_107] : memref<1024x128xf32, #tpu.memory_space<vmem>>, vector<1024x128xf32>
      %reshape3A_109 = vector.shape_cast %get3A_108 : vector<1024x128xf32> to vector<4x256x128xf32>
      %slice3A = vector.extract_strided_slice %reshape3A {offsets = [0, 128, 0], sizes = [4, 128, 128], strides = [1, 1, 1]} : vector<4x256x128xf32> to vector<4x128x128xf32>
      %slice3A_110 = vector.extract_strided_slice %reshape3A {offsets = [0, 0, 0], sizes = [4, 128, 128], strides = [1, 1, 1]} : vector<4x256x128xf32> to vector<4x128x128xf32>
      %concatenate3A = tpu.concatenate %slice3A, %slice3A_110 in 1 : vector<4x128x128xf32>, vector<4x128x128xf32> -> vector<4x256x128xf32>
      %reshape3A_111 = vector.shape_cast %concatenate3A : vector<4x256x128xf32> to vector<1024x128xf32>
      %swap3A_112 = arith.constant 0 : index
      %swap3A_113 = arith.constant 0 : index
      %swap3A_114 = vector.load %arg9[%swap3A_112, %swap3A_113] : memref<1024x128xf32, #tpu.memory_space<vmem>>, vector<1024x128xf32>
      tpu.vector_store %arg9[%swap3A_112, %swap3A_113], %reshape3A_111 {strides = array<i32>} : memref<1024x128xf32, #tpu.memory_space<vmem>>, vector<1024x128xf32>,
      %slice3A_115 = vector.extract_strided_slice %reshape3A_109 {offsets = [0, 128, 0], sizes = [4, 128, 128], strides = [1, 1, 1]} : vector<4x256x128xf32> to vector<4x128x128xf32>
      %slice3A_116 = vector.extract_strided_slice %reshape3A_109 {offsets = [0, 0, 0], sizes = [4, 128, 128], strides = [1, 1, 1]} : vector<4x256x128xf32> to vector<4x128x128xf32>
      %concatenate3A_117 = tpu.concatenate %slice3A_115, %slice3A_116 in 1 : vector<4x128x128xf32>, vector<4x128x128xf32> -> vector<4x256x128xf32>
      %reshape3A_118 = vector.shape_cast %concatenate3A_117 : vector<4x256x128xf32> to vector<1024x128xf32>
      %swap3A_119 = arith.constant 0 : index
      %swap3A_120 = arith.constant 0 : index
      %swap3A_121 = vector.load %arg10[%swap3A_119, %swap3A_120] : memref<1024x128xf32, #tpu.memory_space<vmem>>, vector<1024x128xf32>
      tpu.vector_store %arg10[%swap3A_119, %swap3A_120], %reshape3A_118 {strides = array<i32>} : memref<1024x128xf32, #tpu.memory_space<vmem>>, vector<1024x128xf32>,
    } else {
    }
    %eq3A_48 = arith.constant 256 : i32
    %eq3A_49 = arith.cmpi eq, %get3A_5, %eq3A_48 : i32
    %convert_element_type3A_50 = arith.extui %eq3A_49 : i1 to i32
    %cond3A_51 = arith.constant 0 : i32
    %cond3A_52 = arith.cmpi ne, %convert_element_type3A_50, %cond3A_51 : i32
    scf.if %cond3A_52 {
      %get3A_103 = arith.constant 0 : index
      %get3A_104 = arith.constant 0 : index
      %get3A_105 = vector.load %arg7[%get3A_103, %get3A_104] : memref<1024x128xf32, #tpu.memory_space<vmem>>, vector<1024x128xf32>
      %reshape3A = vector.shape_cast %get3A_105 : vector<1024x128xf32> to vector<2x512x128xf32>
      %get3A_106 = arith.constant 0 : index
      %get3A_107 = arith.constant 0 : index
      %get3A_108 = vector.load %arg8[%get3A_106, %get3A_107] : memref<1024x128xf32, #tpu.memory_space<vmem>>, vector<1024x128xf32>
      %reshape3A_109 = vector.shape_cast %get3A_108 : vector<1024x128xf32> to vector<2x512x128xf32>
      %slice3A = vector.extract_strided_slice %reshape3A {offsets = [0, 256, 0], sizes = [2, 256, 128], strides = [1, 1, 1]} : vector<2x512x128xf32> to vector<2x256x128xf32>
      %slice3A_110 = vector.extract_strided_slice %reshape3A {offsets = [0, 0, 0], sizes = [2, 256, 128], strides = [1, 1, 1]} : vector<2x512x128xf32> to vector<2x256x128xf32>
      %concatenate3A = tpu.concatenate %slice3A, %slice3A_110 in 1 : vector<2x256x128xf32>, vector<2x256x128xf32> -> vector<2x512x128xf32>
      %reshape3A_111 = vector.shape_cast %concatenate3A : vector<2x512x128xf32> to vector<1024x128xf32>
      %swap3A_112 = arith.constant 0 : index
      %swap3A_113 = arith.constant 0 : index
      %swap3A_114 = vector.load %arg9[%swap3A_112, %swap3A_113] : memref<1024x128xf32, #tpu.memory_space<vmem>>, vector<1024x128xf32>
      tpu.vector_store %arg9[%swap3A_112, %swap3A_113], %reshape3A_111 {strides = array<i32>} : memref<1024x128xf32, #tpu.memory_space<vmem>>, vector<1024x128xf32>,
      %slice3A_115 = vector.extract_strided_slice %reshape3A_109 {offsets = [0, 256, 0], sizes = [2, 256, 128], strides = [1, 1, 1]} : vector<2x512x128xf32> to vector<2x256x128xf32>
      %slice3A_116 = vector.extract_strided_slice %reshape3A_109 {offsets = [0, 0, 0], sizes = [2, 256, 128], strides = [1, 1, 1]} : vector<2x512x128xf32> to vector<2x256x128xf32>
      %concatenate3A_117 = tpu.concatenate %slice3A_115, %slice3A_116 in 1 : vector<2x256x128xf32>, vector<2x256x128xf32> -> vector<2x512x128xf32>
      %reshape3A_118 = vector.shape_cast %concatenate3A_117 : vector<2x512x128xf32> to vector<1024x128xf32>
      %swap3A_119 = arith.constant 0 : index
      %swap3A_120 = arith.constant 0 : index
      %swap3A_121 = vector.load %arg10[%swap3A_119, %swap3A_120] : memref<1024x128xf32, #tpu.memory_space<vmem>>, vector<1024x128xf32>
      tpu.vector_store %arg10[%swap3A_119, %swap3A_120], %reshape3A_118 {strides = array<i32>} : memref<1024x128xf32, #tpu.memory_space<vmem>>, vector<1024x128xf32>,
    } else {
    }
    %eq3A_53 = arith.constant 512 : i32
    %eq3A_54 = arith.cmpi eq, %get3A_5, %eq3A_53 : i32
    %convert_element_type3A_55 = arith.extui %eq3A_54 : i1 to i32
    %cond3A_56 = arith.constant 0 : i32
    %cond3A_57 = arith.cmpi ne, %convert_element_type3A_55, %cond3A_56 : i32
    scf.if %cond3A_57 {
      %get3A_103 = arith.constant 0 : index
      %get3A_104 = arith.constant 0 : index
      %get3A_105 = vector.load %arg7[%get3A_103, %get3A_104] : memref<1024x128xf32, #tpu.memory_space<vmem>>, vector<1024x128xf32>
      %reshape3A = vector.shape_cast %get3A_105 : vector<1024x128xf32> to vector<1x1024x128xf32>
      %get3A_106 = arith.constant 0 : index
      %get3A_107 = arith.constant 0 : index
      %get3A_108 = vector.load %arg8[%get3A_106, %get3A_107] : memref<1024x128xf32, #tpu.memory_space<vmem>>, vector<1024x128xf32>
      %reshape3A_109 = vector.shape_cast %get3A_108 : vector<1024x128xf32> to vector<1x1024x128xf32>
      %slice3A = vector.extract_strided_slice %reshape3A {offsets = [0, 512, 0], sizes = [1, 512, 128], strides = [1, 1, 1]} : vector<1x1024x128xf32> to vector<1x512x128xf32>
      %slice3A_110 = vector.extract_strided_slice %reshape3A {offsets = [0, 0, 0], sizes = [1, 512, 128], strides = [1, 1, 1]} : vector<1x1024x128xf32> to vector<1x512x128xf32>
      %concatenate3A = tpu.concatenate %slice3A, %slice3A_110 in 1 : vector<1x512x128xf32>, vector<1x512x128xf32> -> vector<1x1024x128xf32>
      %reshape3A_111 = vector.shape_cast %concatenate3A : vector<1x1024x128xf32> to vector<1024x128xf32>
      %swap3A_112 = arith.constant 0 : index
      %swap3A_113 = arith.constant 0 : index
      %swap3A_114 = vector.load %arg9[%swap3A_112, %swap3A_113] : memref<1024x128xf32, #tpu.memory_space<vmem>>, vector<1024x128xf32>
      tpu.vector_store %arg9[%swap3A_112, %swap3A_113], %reshape3A_111 {strides = array<i32>} : memref<1024x128xf32, #tpu.memory_space<vmem>>, vector<1024x128xf32>,
      %slice3A_115 = vector.extract_strided_slice %reshape3A_109 {offsets = [0, 512, 0], sizes = [1, 512, 128], strides = [1, 1, 1]} : vector<1x1024x128xf32> to vector<1x512x128xf32>
      %slice3A_116 = vector.extract_strided_slice %reshape3A_109 {offsets = [0, 0, 0], sizes = [1, 512, 128], strides = [1, 1, 1]} : vector<1x1024x128xf32> to vector<1x512x128xf32>
      %concatenate3A_117 = tpu.concatenate %slice3A_115, %slice3A_116 in 1 : vector<1x512x128xf32>, vector<1x512x128xf32> -> vector<1x1024x128xf32>
      %reshape3A_118 = vector.shape_cast %concatenate3A_117 : vector<1x1024x128xf32> to vector<1024x128xf32>
      %swap3A_119 = arith.constant 0 : index
      %swap3A_120 = arith.constant 0 : index
      %swap3A_121 = vector.load %arg10[%swap3A_119, %swap3A_120] : memref<1024x128xf32, #tpu.memory_space<vmem>>, vector<1024x128xf32>
      tpu.vector_store %arg10[%swap3A_119, %swap3A_120], %reshape3A_118 {strides = array<i32>} : memref<1024x128xf32, #tpu.memory_space<vmem>>, vector<1024x128xf32>,
    } else {
    }
    %ge3A = arith.constant 1024 : i32
    %ge3A_58 = arith.cmpi sge, %get3A_5, %ge3A : i32
    %convert_element_type3A_59 = arith.extui %ge3A_58 : i1 to i32
    %cond3A_60 = arith.constant 0 : i32
    %cond3A_61 = arith.cmpi ne, %convert_element_type3A_59, %cond3A_60 : i32
    scf.if %cond3A_61 {
      %get3A_103 = arith.index_cast %get3A_7 : i32 to index
      %get3A_104 = arith.constant 0 : index
      %get3A_105 = arith.constant 0 : index
      %get3A_106 = vector.load %arg5[%get3A_103, %get3A_104, %get3A_105] : memref<7x128x128xf32, #tpu.memory_space<vmem>>, vector<1x128x128xf32>
      %get3A_107 = vector.shape_cast %get3A_106 : vector<1x128x128xf32> to vector<128x128xf32>
      %get3A_108 = arith.constant 0 : index
      %get3A_109 = arith.constant 0 : index
      %get3A_110 = vector.load %arg7[%get3A_108, %get3A_109] : memref<1024x128xf32, #tpu.memory_space<vmem>>, vector<1024x128xf32>
      %dot_general3A = arith.constant dense<0.000000e+00> : vector<1024x128xf32>
      %dot_general3A_111 = tpu.matmul %get3A_110, %get3A_107, %dot_general3A {dimension_numbers = #tpu.dot_dimension_numbers<[1], [0], [0], [1], [0, 0, 1, 1], [], []>, precision = #tpu.contract_precision<fp32>, transpose_lhs_hint = false} : vector<1024x128xf32>, vector<128x128xf32>, vector<1024x128xf32> -> vector<1024x128xf32>
      %swap3A_112 = arith.constant 0 : index
      %swap3A_113 = arith.constant 0 : index
      %swap3A_114 = vector.load %arg9[%swap3A_112, %swap3A_113] : memref<1024x128xf32, #tpu.memory_space<vmem>>, vector<1024x128xf32>
      tpu.vector_store %arg9[%swap3A_112, %swap3A_113], %dot_general3A_111 {strides = array<i32>} : memref<1024x128xf32, #tpu.memory_space<vmem>>, vector<1024x128xf32>,
      %get3A_115 = arith.constant 0 : index
      %get3A_116 = arith.constant 0 : index
      %get3A_117 = vector.load %arg8[%get3A_115, %get3A_116] : memref<1024x128xf32, #tpu.memory_space<vmem>>, vector<1024x128xf32>
      %dot_general3A_118 = arith.constant dense<0.000000e+00> : vector<1024x128xf32>
      %dot_general3A_119 = tpu.matmul %get3A_117, %get3A_107, %dot_general3A_118 {dimension_numbers = #tpu.dot_dimension_numbers<[1], [0], [0], [1], [0, 0, 1, 1], [], []>, precision = #tpu.contract_precision<fp32>, transpose_lhs_hint = false} : vector<1024x128xf32>, vector<128x128xf32>, vector<1024x128xf32> -> vector<1024x128xf32>
      %swap3A_120 = arith.constant 0 : index
      %swap3A_121 = arith.constant 0 : index
      %swap3A_122 = vector.load %arg10[%swap3A_120, %swap3A_121] : memref<1024x128xf32, #tpu.memory_space<vmem>>, vector<1024x128xf32>
      tpu.vector_store %arg10[%swap3A_120, %swap3A_121], %dot_general3A_119 {strides = array<i32>} : memref<1024x128xf32, #tpu.memory_space<vmem>>, vector<1024x128xf32>,
    } else {
    }
    %mul3A = arith.constant 1024 : i32
    %mul3A_62 = vector.broadcast %mul3A : i32 to vector<1024x128xi32>
    %mul3A_63 = arith.muli %iota3A_0, %mul3A_62 : vector<1024x128xi32>
    %add3A = arith.addi %mul3A_63, %iota3A : vector<1024x128xi32>
    %and3A = vector.broadcast %get3A_3 : i32 to vector<1024x128xi32>
    %and3A_64 = arith.andi %add3A, %and3A : vector<1024x128xi32>
    %eq3A_65 = arith.constant 0 : i32
    %eq3A_66 = vector.broadcast %eq3A_65 : i32 to vector<1024x128xi32>
    %eq3A_67 = arith.cmpi eq, %and3A_64, %eq3A_66 : vector<1024x128xi32>
    %and3A_68 = vector.broadcast %get3A_5 : i32 to vector<1024x128xi32>
    %and3A_69 = arith.andi %add3A, %and3A_68 : vector<1024x128xi32>
    %eq3A_70 = arith.constant 0 : i32
    %eq3A_71 = vector.broadcast %eq3A_70 : i32 to vector<1024x128xi32>
    %eq3A_72 = arith.cmpi eq, %and3A_69, %eq3A_71 : vector<1024x128xi32>
    %get3A_73 = arith.constant 0 : index
    %get3A_74 = arith.constant 0 : index
    %get3A_75 = vector.load %arg7[%get3A_73, %get3A_74] : memref<1024x128xf32, #tpu.memory_space<vmem>>, vector<1024x128xf32>
    %get3A_76 = arith.constant 0 : index
    %get3A_77 = arith.constant 0 : index
    %get3A_78 = vector.load %arg8[%get3A_76, %get3A_77] : memref<1024x128xf32, #tpu.memory_space<vmem>>, vector<1024x128xf32>
    %get3A_79 = arith.constant 0 : index
    %get3A_80 = arith.constant 0 : index
    %get3A_81 = vector.load %arg9[%get3A_79, %get3A_80] : memref<1024x128xf32, #tpu.memory_space<vmem>>, vector<1024x128xf32>
    %get3A_82 = arith.constant 0 : index
    %get3A_83 = arith.constant 0 : index
    %get3A_84 = vector.load %arg10[%get3A_82, %get3A_83] : memref<1024x128xf32, #tpu.memory_space<vmem>>, vector<1024x128xf32>
    %gt3A = arith.cmpf ogt, %get3A_75, %get3A_81 : vector<1024x128xf32>
    %eq3A_85 = arith.cmpf oeq, %get3A_75, %get3A_81 : vector<1024x128xf32>
    %gt3A_86 = arith.cmpf ogt, %get3A_78, %get3A_84 : vector<1024x128xf32>
    %and3A_87 = arith.andi %eq3A_85, %gt3A_86 : vector<1024x128xi1>
    %or3A = arith.ori %gt3A, %and3A_87 : vector<1024x128xi1>
    %xor3A = arith.xori %or3A, %eq3A_67 : vector<1024x128xi1>
    %not3A = arith.constant dense<true> : vector<1024x128xi1>
    %not3A_88 = arith.xori %xor3A, %not3A : vector<1024x128xi1>
    %xor3A_89 = arith.xori %not3A_88, %eq3A_72 : vector<1024x128xi1>
    %not3A_90 = arith.constant dense<true> : vector<1024x128xi1>
    %not3A_91 = arith.xori %xor3A_89, %not3A_90 : vector<1024x128xi1>
    %select_n3A = arith.select %not3A_91, %get3A_81, %get3A_75 : vector<1024x128xi1>, vector<1024x128xf32>
    %swap3A = arith.constant 0 : index
    %swap3A_92 = arith.constant 0 : index
    %swap3A_93 = vector.load %arg7[%swap3A, %swap3A_92] : memref<1024x128xf32, #tpu.memory_space<vmem>>, vector<1024x128xf32>
    tpu.vector_store %arg7[%swap3A, %swap3A_92], %select_n3A {strides = array<i32>} : memref<1024x128xf32, #tpu.memory_space<vmem>>, vector<1024x128xf32>,
    %select_n3A_94 = arith.select %not3A_91, %get3A_84, %get3A_78 : vector<1024x128xi1>, vector<1024x128xf32>
    %swap3A_95 = arith.constant 0 : index
    %swap3A_96 = arith.constant 0 : index
    %swap3A_97 = vector.load %arg8[%swap3A_95, %swap3A_96] : memref<1024x128xf32, #tpu.memory_space<vmem>>, vector<1024x128xf32>
    tpu.vector_store %arg8[%swap3A_95, %swap3A_96], %select_n3A_94 {strides = array<i32>} : memref<1024x128xf32, #tpu.memory_space<vmem>>, vector<1024x128xf32>,
    %eq3A_98 = arith.constant 152 : i32
    %eq3A_99 = arith.cmpi eq, %arg0, %eq3A_98 : i32
    %convert_element_type3A_100 = arith.extui %eq3A_99 : i1 to i32
    %cond3A_101 = arith.constant 0 : i32
    %cond3A_102 = arith.cmpi ne, %convert_element_type3A_100, %cond3A_101 : i32
    scf.if %cond3A_102 {
      %get3A_103 = arith.constant 0 : index
      %get3A_104 = arith.constant 0 : index
      %get3A_105 = vector.load %arg8[%get3A_103, %get3A_104] : memref<1024x128xf32, #tpu.memory_space<vmem>>, vector<1024x128xf32>
      %swap3A_106 = arith.constant 0 : index
      %swap3A_107 = arith.constant 0 : index
      %swap3A_108 = vector.load %arg6[%swap3A_106, %swap3A_107] : memref<1024x128xf32, #tpu.memory_space<vmem>>, vector<1024x128xf32>
      tpu.vector_store %arg6[%swap3A_106, %swap3A_107], %get3A_105 {strides = array<i32>} : memref<1024x128xf32, #tpu.memory_space<vmem>>, vector<1024x128xf32>,
    } else {
    }
    return
  }
  func.func @transform_0(%arg0: i32, %arg1: memref<153xi32, #tpu.memory_space<smem>>, %arg2: memref<153xi32, #tpu.memory_space<smem>>, %arg3: memref<153xi32, #tpu.memory_space<smem>>) -> (i32, i32) {
    %c0_i32 = arith.constant 0 : i32
    %c0_i32_0 = arith.constant 0 : i32
    %c0_i32_1 = arith.constant 0 : i32
    return %c0_i32, %c0_i32_0 : i32, i32
  }
  func.func @transform_1(%arg0: i32, %arg1: memref<153xi32, #tpu.memory_space<smem>>, %arg2: memref<153xi32, #tpu.memory_space<smem>>, %arg3: memref<153xi32, #tpu.memory_space<smem>>) -> (i32, i32, i32) {
    %c0_i32 = arith.constant 0 : i32
    %c0_i32_0 = arith.constant 0 : i32
    %c0_i32_1 = arith.constant 0 : i32
    %c0_i32_2 = arith.constant 0 : i32
    return %c0_i32, %c0_i32_0, %c0_i32_1 : i32, i32, i32
  }
  func.func @transform_2(%arg0: i32, %arg1: memref<153xi32, #tpu.memory_space<smem>>, %arg2: memref<153xi32, #tpu.memory_space<smem>>, %arg3: memref<153xi32, #tpu.memory_space<smem>>) -> (i32, i32) {
    %c0_i32 = arith.constant 0 : i32
    %c0_i32_0 = arith.constant 0 : i32
    %c0_i32_1 = arith.constant 0 : i32
    return %c0_i32, %c0_i32_0 : i32, i32
  }
}

module attributes {stable_mosaic.version = 14 : i64} {
  func.func @_epi_body(%arg0: memref<512x128xf32, #tpu.memory_space<vmem>>, %arg1: memref<512x128xf32, #tpu.memory_space<vmem>>, %arg2: memref<512x1xf32, #tpu.memory_space<vmem>>, %arg3: memref<1x128xf32, #tpu.memory_space<vmem>>, %arg4: memref<1x128xf32, #tpu.memory_space<vmem>>, %arg5: memref<512x128xf32, #tpu.memory_space<vmem>>) attributes {dimension_semantics = [], scalar_prefetch = 0 : i64, scratch_operands = 0 : i64, tpu.core_type = #tpu.core_type<tc>} {
    %get3A = arith.constant 0 : index
    %get3A_0 = arith.constant 0 : index
    %get3A_1 = vector.load %arg0[%get3A, %get3A_0] : memref<512x128xf32, #tpu.memory_space<vmem>>, vector<512x128xf32>
    %get3A_2 = arith.constant 0 : index
    %get3A_3 = arith.constant 0 : index
    %get3A_4 = vector.load %arg1[%get3A_2, %get3A_3] : memref<512x128xf32, #tpu.memory_space<vmem>>, vector<512x128xf32>
    %add3A = arith.addf %get3A_1, %get3A_4 : vector<512x128xf32>
    %get3A_5 = arith.constant 0 : index
    %get3A_6 = arith.constant 0 : index
    %get3A_7 = vector.load %arg2[%get3A_5, %get3A_6] : memref<512x1xf32, #tpu.memory_space<vmem>>, vector<512x1xf32>
    %get3A_8 = arith.constant 0 : index
    %get3A_9 = arith.constant 0 : index
    %get3A_10 = vector.load %arg3[%get3A_8, %get3A_9] : memref<1x128xf32, #tpu.memory_space<vmem>>, vector<1x128xf32>
    %mul3A = vector.broadcast %get3A_7 : vector<512x1xf32> to vector<512x128xf32>
    %mul3A_11 = vector.broadcast %get3A_10 : vector<1x128xf32> to vector<512x128xf32>
    %mul3A_12 = arith.mulf %mul3A, %mul3A_11 : vector<512x128xf32>
    %add3A_13 = arith.addf %add3A, %mul3A_12 : vector<512x128xf32>
    %get3A_14 = arith.constant 0 : index
    %get3A_15 = arith.constant 0 : index
    %get3A_16 = vector.load %arg4[%get3A_14, %get3A_15] : memref<1x128xf32, #tpu.memory_space<vmem>>, vector<1x128xf32>
    %add3A_17 = vector.broadcast %get3A_16 : vector<1x128xf32> to vector<512x128xf32>
    %add3A_18 = arith.addf %add3A_13, %add3A_17 : vector<512x128xf32>
    %swap3A = arith.constant 0 : index
    %swap3A_19 = arith.constant 0 : index
    %swap3A_20 = vector.load %arg5[%swap3A, %swap3A_19] : memref<512x128xf32, #tpu.memory_space<vmem>>, vector<512x128xf32>
    tpu.vector_store %arg5[%swap3A, %swap3A_19], %add3A_18 {strides = array<i32>} : memref<512x128xf32, #tpu.memory_space<vmem>>, vector<512x128xf32>,
    return
  }
}

</mosaic_0001>

<sc_bundles>
// kernel: kernel.7.cloned.1.call-start
scs
__scs_entry_jumppad:
0x0: {  	(pc) =	sbr.rel $0x88, $3  }
0x1: {  	(tag) =	ssettag $0x0;
	lr =	simm.s32 $0x1  }
0x2: {  	[smem:$0x3F8F] =	sst lr;
	_ =	strace $0xD0000000  }
0x3: {  	_ = 	snop  }
0x4: {  	_ = 	snop  }
0x5: {  	_ = 	snop  }
0x6: {  	_ = 	snop  }
0x7: {  	_ = 	snop  }
__scs_overlays_trampoline_lowered:
0x8: {  	[smem:$0x3F9E] =	sst s0  }
0x9: {  	[smem:$0x3F9F] =	sst s1  }
0xa: {  	[smem:$0x3FA0] =	sst s2  }
0xb: {  	[smem:$0x3FA1] =	sst s3  }
0xc: {  	[smem:$0x3FA2] =	sst s4  }
0xd: {  	[smem:$0x3FA3] =	sst s5  }
0xe: {  	[smem:$0x3FA4] =	sst s6  }
0xf: {  	[smem:$0x3FA5] =	sst s7  }
0x10: {  	[smem:$0x3FA6] =	sst s8  }
0x11: {  	[smem:$0x3FA7] =	sst s9;
	s0 =	simm.s32 @!p0 $0x0  }
0x12: {  	s1 =	sld [smem:$0x3F8D];
	s0 =	simm.s32 @p0 $0x1  }
0x13: {  	[smem:$0x3FA8] =	sst s0;
	s0 =	simm.s32 @!p1 $0x0  }
0x14: {  	s2 =	sld [smem:$0x3F8C];
	s0 =	simm.s32 @p1 $0x1  }
0x15: {  	[smem:$0x3FA9] =	sst s0;
	s0 =	simm.s32 @!p2 $0x0  }
0x16: {  	s3 =	sld [smem:$0x3FDB];
	s0 =	simm.s32 @p2 $0x1  }
0x17: {  	s4 =	simm.s32 $0x1BF5;
	[smem:$0x3FAB] =	sst s0  }
0x18: {  	s0 =	sld [smem:$0x3F8E];
	_ =	swait.ge [sflag:s4], $0x0  }
0x19: {  	s7 =	sld [smem:$0x3F8F]  }
0x1a: {  	s8 =	sadd.s32 $0xFFFFE003, lr  }
0x1b: {  	s9 =	sadd.s32 $0xFFFFFEF7, lr;
	s5 =	simm.s32 $0xFFFFFFFF;
	p2 =	slt.u32 s8, $0xFFFFF086  }
0x1c: {  	p1 =	slt.u32 s9, $0xF7A;
	s5 =	simm.s32 @!p2 $0x0  }
0x1d: {  	s5 =	simm.s32 @p1 $0x1;
	p0 =	seq.s32 s7, s2  }
0x1e: {  	s7 =	smul.u32 @!p0 $0xF7A, s2;
	p2 =	seq.s32 @!p0 s5, $0x0  }
0x1f: {  	s9 =	smul.u32 $0xF7A, s1;
	s8 =	simm.s32 @!p0 $0x1BF5;
	p2 =	por !p2, p0  }
0x20: {  	[sflag:s8] =	ssyncset.s32 @!p0 $0xFFFFF086;
	s6 =	sadd.s32 @!p0 s3, s7;
	s7 =	simm.s32 @!p0 $0x108  }
0x21: {  	s3 =	sadd.s32 s3, s9;
	s6 =	sadd.s32 @!p0 $0x88, s6;
	s7 =	simm.s32 @p2 $0x1082  }
0x22: {  	[simem:s7], [sflag:s8] =	dma.local @!p0 [hbm:s6], $0xF7A  }
0x23: {  	s9 =	sor.u32 $0xD0000000, s2;
	s6 =	simm.s32 $0x108;
	_ =	swait.ge @!p0 [sflag:s8], $0x0  }
0x24: {  	s3 =	sadd.s32 $0x88, s3;
	s6 =	simm.s32 @!p1 $0x1082;
	[sflag:s4] =	ssyncset.s32 $0xFFFFF086  }
0x25: {  	[simem:s6], [sflag:s4] =	dma.local [hbm:s3], $0xF7A  }
0x26: {  	[smem:$0x3F8F] =	sst s1;
	(tag) =	ssettag s2;
	_ =	strace s9  }
0x27: {  	s1 =	sld [smem:$0x3F9F]  }
0x28: {  	s2 =	sld [smem:$0x3FA0]  }
0x29: {  	s4 =	sld [smem:$0x3FA2]  }
0x2a: {  	p0 =	seq.s32 s5, $0x0;
	s5 =	sld [smem:$0x3FA3]  }
0x2b: {  	s6 =	sld [smem:$0x3FA4]  }
0x2c: {  	s7 =	sld [smem:$0x3FA5]  }
0x2d: {  	s3 =	simm.s32 $0x108;
	s8 =	sld [smem:$0x3FA6]  }
0x2e: {  	s3 =	simm.s32 @!p0 $0x1082;
	s9 =	sld [smem:$0x3FA7]  }
0x2f: {  	lr =	sadd.s32 s0, s3;
	s0 =	sld [smem:$0x3F9E]  }
0x30: {  	s3 =	sld [smem:$0x3FA1]  }
0x31: {  	[smem:$0x3FAA] =	sst s10  }
0x32: {  	s10 =	sld [smem:$0x3FA8];
	_ =	sdelay $0x3  }
0x33: {  	p0 =	seq.s32 s10, $0x1;
	s10 =	sld [smem:$0x3FAA];
	_ =	sdelay $0x3  }
0x34: {  	[smem:$0x3FAA] =	sst s10  }
0x35: {  	s10 =	sld [smem:$0x3FA9];
	_ =	sdelay $0x3  }
0x36: {  	p1 =	seq.s32 s10, $0x1;
	s10 =	sld [smem:$0x3FAA];
	_ =	sdelay $0x3  }
0x37: {  	[smem:$0x3FAA] =	sst s10  }
0x38: {  	s10 =	sld [smem:$0x3FAB]  }
0x39: {  	_ = 	snop;
	(pc) =	sbr.ind lr, $3  }
0x3a: {  	_ = 	snop  }
0x3b: {  	_ = 	snop  }
0x3c: {  	p2 =	seq.s32 s10, $0x1;
	s10 =	sld [smem:$0x3FAA]  }
0x3d: {  	_ =	shalt  }
0x3e: {  	_ =	shalt  }
0x3f: {  	_ =	shalt  }
0x40: {  	_ =	shalt  }
0x41: {  	_ =	shalt  }
0x42: {  	_ =	shalt  }
0x43: {  	_ =	shalt  }
0x44: {  	_ =	shalt  }
0x45: {  	_ =	shalt  }
0x46: {  	_ =	shalt  }
0x47: {  	_ =	shalt  }
0x48: {  	_ =	shalt  }
0x49: {  	_ =	shalt  }
0x4a: {  	_ =	shalt  }
0x4b: {  	_ =	shalt  }
0x4c: {  	_ =	shalt  }
0x4d: {  	_ =	shalt  }
0x4e: {  	_ =	shalt  }
0x4f: {  	_ =	shalt  }
0x50: {  	_ =	shalt  }
0x51: {  	_ =	shalt  }
0x52: {  	_ =	shalt  }
0x53: {  	_ =	shalt  }
0x54: {  	_ =	shalt  }
0x55: {  	_ =	shalt  }
0x56: {  	_ =	shalt  }
0x57: {  	_ =	shalt  }
0x58: {  	_ =	shalt  }
0x59: {  	_ =	shalt  }
0x5a: {  	_ =	shalt  }
0x5b: {  	_ =	shalt  }
0x5c: {  	_ =	shalt  }
0x5d: {  	_ =	shalt  }
0x5e: {  	_ =	shalt  }
0x5f: {  	_ =	shalt  }
0x60: {  	_ =	shalt  }
0x61: {  	_ =	shalt  }
0x62: {  	_ =	shalt  }
0x63: {  	_ =	shalt  }
0x64: {  	_ =	shalt  }
0x65: {  	_ =	shalt  }
0x66: {  	_ =	shalt  }
0x67: {  	_ =	shalt  }
0x68: {  	_ =	shalt  }
0x69: {  	_ =	shalt  }
0x6a: {  	_ =	shalt  }
0x6b: {  	_ =	shalt  }
0x6c: {  	_ =	shalt  }
0x6d: {  	_ =	shalt  }
0x6e: {  	_ =	shalt  }
0x6f: {  	_ =	shalt  }
0x70: {  	_ =	shalt  }
0x71: {  	_ =	shalt  }
0x72: {  	_ =	shalt  }
0x73: {  	_ =	shalt  }
0x74: {  	_ =	shalt  }
0x75: {  	_ =	shalt  }
0x76: {  	_ =	shalt  }
0x77: {  	_ =	shalt  }
0x78: {  	_ =	shalt  }
0x79: {  	_ =	shalt  }
0x7a: {  	_ =	shalt  }
0x7b: {  	_ =	shalt  }
0x7c: {  	_ =	shalt  }
0x7d: {  	_ =	shalt  }
0x7e: {  	_ =	shalt  }
0x7f: {  	_ =	shalt  }
0x80: {  	_ =	shalt  }
0x81: {  	_ =	shalt  }
0x82: {  	_ =	shalt  }
0x83: {  	_ =	shalt  }
0x84: {  	_ =	shalt  }
0x85: {  	_ =	shalt  }
0x86: {  	_ =	shalt  }
0x87: {  	_ =	shalt  }
.Lfunc_end0:
.L_simem_size_0:
called_computation.1_lowered:
.L_overlay_start_0:
0x88: {  	s2 =	sld [smem:$0x3FD9]  }
0x89: {  	s3 =	sld [smem:$0x3FFE];
	_ =	sdelay $0x1  }
0x8a: {  	s1 =	srdreg.scid  }
0x8b: {  	s0 =	sand.u32 $0x1, s1  }
0x8c: {  	s17 =	sshll.u32 s0, $0xA;
	s2 =	sadd.s32 s3, s2  }
0x8d: {  	s2 =	sadd.s32 s2, s17  }
0x8e: {  	[smem:$0x3FB6] =	sst s2  }
0x8f: {  	_ = 	snop  }
0x90: {  	s2 =	sld [smem:$0x3FD0];
	(tm) =	ssettm $0x1  }
0x91: {  	s18 =	sld [smem:$0x3FFB];
	_ =	sdelay $0x3  }
0x92: {  	_ =	strace s18  }
0x93: {  	s3 =	sld [smem:$0x3FFC];
	_ =	sdelay $0x3  }
0x94: {  	_ =	strace s3  }
0x95: {  	s3 =	sld [smem:$0x3FFD];
	_ =	sdelay $0x3  }
0x96: {  	_ =	strace s3  }
0x97: {  	_ =	strace $0x8FFFFFFF  }
0x98: {  	s19 =	sld [smem:$0x3FDB];
	_ =	sdelay $0x1  }
0x99: {  	s4 =	simm.s32 $_scs_section_size  }
0x9a: {  	s5 =	simm.s32 $_size__tile_overlayer_lowered;
	s6 =	simm.s32 $_tile_overlayer_lowered  }
0x9b: {  	s22 =	simm.s32 $0x1BFF;
	s21 =	sshll.u32 s6, $0x1;
	s3 =	sadd.s32 s4, s19  }
0x9c: {  	s7 =	simm.s32 $0x0;
	s20 =	sshll.u32 s5, $0x1;
	s5 =	sadd.s32 s21, s3  }
0x9d: {  	[timem:s7], [sflag:s22] =	dma.local [hbm:s5], s20  }
0x9e: {  	_ =	swait.ge [sflag:s22], s20  }
0x9f: {  	s4 =	ssub.s32 $0x0, s20;
	[sflag:s22] =	ssyncset.done $0x0  }
0xa0: {  	[sflag:s22] =	ssyncadd.s32 s4;
	_ =	sdelay $0x1  }
0xa1: {  	s23 =	simm.s32 $0x1B8B  }
0xa2: {  	_ =	swait.ge [sflag:s23], $0x1  }
0xa3: {  	[sflag:s23] =	ssyncset.done $0x0  }
0xa4: {  	s25 =	simm.s32 $0x1B8E;
	s24 =	sld [smem:$0x3FFE];
	[sflag:s23] =	ssyncadd.s32 $0xFFFFFFFF  }
0xa5: {  	s26 =	simm.s32 $execute0_lowered;
	[smem:$0x3FD2] =	sst s25  }
0xa6: {  	s5 =	sshll.u32 s26, $0x1;
	_ =	strace $0x80000049;
	[dreg:$0x1] =	wrdreg $0xFFFFFFFF  }
0xa7: {  	s28 =	simm.s32 $_size_execute0_lowered;
	s3 =	sadd.s32 s3, s5;
	[dreg:$0x0] =	wrdreg $0x0  }
0xa8: {  	s5 =	sshll.u32 s28, $0x1;
	[dreg:$0x2] =	wrdreg s3  }
0xa9: {  	[dreg:$0x3] =	wrdreg s5  }
0xaa: {  	[dreg:$0x4] =	wrdreg $0xC0  }
0xab: {  	_ =	task [dreg:s7], $0x5FFFF  }
0xac: {  	[dreg:$0x1] =	wrdreg $0xFFFFFFFF  }
0xad: {  	[dreg:$0x0] =	wrdreg $0x60  }
0xae: {  	[dreg:$0x2] =	wrdreg s24  }
0xaf: {  	[dreg:$0x3] =	wrdreg s2  }
0xb0: {  	[dreg:$0x4] =	wrdreg $0xA1800  }
0xb1: {  	[dreg:$0x5] =	wrdreg $0x9  }
0xb2: {  	_ =	task.clear_ibuf [dreg:s7], $0x6FFFF;
	_ =	strace $0x90000049  }
0xb3: {  	s29 =	simm.s32 $0x9;
	_ =	strace $0x8000004B  }
0xb4: {  	_ =	swait.ge [sflag:s29], $0x1  }
0xb5: {  	[sflag:s29] =	ssyncadd.s32 $0xFFFFFFFF  }
0xb6: {  	_ =	strace $0x9000004B  }
0xb7: {  	_ =	sfence  }
0xb8: {  	s30 =	sld [smem:$0x0];
	_ =	sdelay $0x2  }
0xb9: {  	s31 =	sshll.u32 s1, $0xD;
	s1 =	sshrl.u32 s1, $0x2  }
0xba: {  	s3 =	sand.u32 $0x4000, s31;
	s1 =	sadd.s32 s1, s30  }
0xbb: {  	s0 =	sor.u32 s3, s0;
	s1 =	sshll.u32 s1, $0x11  }
0xbc: {  	s0 =	sor.u32 s1, s0  }
0xbd: {  	s0 =	sadd.s32 $0x8F2B, s0  }
0xbe: {  	[sflag:s0] =	ssyncadd.remote.s32 $0x1  }
0xbf: {  	_ =	sfence.sel $0xFFFF  }
0xc0: {  	[dreg:$0x0] =	wrdreg $0xFFFFFFFF;
	(pc) =	sbr.abs _section_cstart, $3  }
0xc1: {  	[dreg:$0x1] =	wrdreg $0xFFFFFFFF  }
0xc2: {  	_ =	task.clear_ibuf [dreg:s7], $0x2FFFF;
	_ =	strace $0x9FFFFFFF  }
0xc3: {  	(tm) =	ssettm $0x7FFFFFFF  }
tec
execute0_lowered:
.L_overlay_start_1:
0x0: {  	(tag) =	ssettag $0x1  }
0x1: {  	s1 =	rddreg [dreg:$0x0]  }
0x2: {  	s2 =	rddreg [dreg:$0x1]  }
0x3: {  	s3 =	rddreg [dreg:$0x2];
	s4 =	simm.s32 $0x0;
	s0 =	srdreg.scid  }
0x4: {  	s7 =	stileid.u32;
	s20 =	simm.s32 $0x3;
	s21 =	simm.s32 $0x80  }
0x5: {  	s22 =	simm.s32 $0x100;
	s23 =	simm.s32 $0x180;
	s24 =	simm.s32 $0x4180  }
0x6: {  	s26 =	simm.s32 $0x1;
	s28 =	simm.s32 $0x2;
	[smem:$0x7FF] =	sst s4  }
0x7: {  	s5 =	sadd.s32 $0x3FE600, s1;
	s6 =	sadd.s32 $0x4000, s1;
	s0 =	sand.u32 $0x1, s0  }
0x8: {  	s8 =	sadd.s32 $0x9200, s1;
	s9 =	sshll.u32 s7, $0x9;
	s11 =	sshll.u32 s7, $0x1  }
0x9: {  	s12 =	sadd.s32 $0x8000, s3;
	s13 =	sadd.s32 $0xA000, s3;
	s14 =	sadd.s32 $0xC000, s3  }
0xa: {  	s15 =	sadd.s32 $0xE000, s3;
	s31 =	sshll.u32 s7, $0xC;
	p0 =	sne.s32 s7, $0x0  }
0xb: {  	_ =	strace $0x8000004A;
	s10 =	ssub.s32 $0x2, s0;
	s17 =	sadd.s32 s9, s1  }
0xc: {  	s18 =	sor.u32 s0, s11;
	s9 =	sadd.s32 $0x2000, s3;
	s11 =	sadd.s32 $0x6000, s3  }
0xd: {  	s0 =	sshll.u32 s0, $0xD;
	s30 =	sshrl.u32 s10, $0x1;
	s16 =	sshll.u32 s18, $0x7  }
0xe: {  	s0 =	sadd.s32 s0, s17;
	s18 =	ssub.s32 $0x41D, s18;
	s19 =	ssub.s32 s10, s30  }
0xf: {  	s10 =	sadd.s32 $0x4000, s3;
	s17 =	sadd.s32 $0xD200, s0;
	s0 =	sadd.s32 s31, s3  }
0x10: {  	v0 =	vimm.f32 $0.0e+00;
	s18 =	sshrl.u32 s18, $0x5;
	s19 =	smax.u32 s19, $0x1;
	s25 =	sshrl.u32 s0, $0x3  }
.LBB2_1:
0x11: {  	s0 =	simm.s32 $0x0;
	s29 =	simm.s32 $0x200  }
.LBB2_2:
0x12: {  	p1 =	sne.s32 s29, $0x7E00;
	[tilespmem:s0+$0x81F0] =	vst v0  }
0x13: {  	[tilespmem:s0+$0x8180] =	vst v0  }
0x14: {  	[tilespmem:s0+$0x8190] =	vst v0  }
.Ltmp0:
0x15: {  	[tilespmem:s0+$0x81A0] =	vst v0;
	(pc) =	sbr.rel @p1 .LBB2_2-.Ltmp0, $4  }
0x16: {  	[tilespmem:s0+$0x81B0] =	vst v0  }
0x17: {  	[tilespmem:s0+$0x81C0] =	vst v0  }
0x18: {  	[tilespmem:s0+$0x81D0] =	vst v0  }
0x19: {  	[tilespmem:s0+$0x81E0] =	vst v0;
	s0 =	sshra.s32 s29, $0x2;
	s29 =	sadd.s32 $0x200, s29  }
0x1a: {  	[tilespmem:s0+$0x81F0] =	vst v0  }
0x1b: {  	[tilespmem:s0+$0x8180] =	vst v0  }
0x1c: {  	[tilespmem:s0+$0x8190] =	vst v0  }
0x1d: {  	[tilespmem:s0+$0x81A0] =	vst v0  }
0x1e: {  	[tilespmem:s0+$0x81B0] =	vst v0  }
0x1f: {  	[tilespmem:s0+$0x81C0] =	vst v0  }
0x20: {  	[tilespmem:s0+$0x81D0] =	vst v0  }
0x21: {  	[tilespmem:s0+$0x81E0] =	vst v0;
	s0 =	simm.s32 @!p0 $0x8180;
	s29 =	simm.s32 @!p0 $0x3  }
0x22: {  	[spmem:s3] =	stream.linear.scatter @!p0 [tilespmem:s0], [sflag:$0x3], $0x2000, $0x38;
	[tilespmem:$0xB180] =	vst v63  }
0x23: {  	_ =	swait.ge @!p0 [sflag:s29], $0x2000  }
0x24: {  	[sflag:s29] =	ssyncset.done @!p0 $0x0  }
0x25: {  	[sflag:s29] =	ssyncadd.s32 @!p0 $0xFFFFE000  }
0x26: {  	[spmem:s9] =	stream.linear.scatter @!p0 [tilespmem:s0], [sflag:$0x3], $0x2000, $0x38;
	[tilespmem:$0xB180] =	vst v63  }
0x27: {  	_ =	swait.ge @!p0 [sflag:s29], $0x2000  }
0x28: {  	[sflag:s29] =	ssyncset.done @!p0 $0x0  }
0x29: {  	[sflag:s29] =	ssyncadd.s32 @!p0 $0xFFFFE000  }
0x2a: {  	[spmem:s10] =	stream.linear.scatter @!p0 [tilespmem:s0], [sflag:$0x3], $0x2000, $0x38;
	[tilespmem:$0xB180] =	vst v63  }
0x2b: {  	_ =	swait.ge @!p0 [sflag:s29], $0x2000  }
0x2c: {  	[sflag:s29] =	ssyncset.done @!p0 $0x0  }
0x2d: {  	[sflag:s29] =	ssyncadd.s32 @!p0 $0xFFFFE000  }
0x2e: {  	[spmem:s11] =	stream.linear.scatter @!p0 [tilespmem:s0], [sflag:$0x3], $0x2000, $0x38;
	[tilespmem:$0xB180] =	vst v63  }
0x2f: {  	_ =	swait.ge @!p0 [sflag:s29], $0x2000  }
0x30: {  	[sflag:s29] =	ssyncset.done @!p0 $0x0  }
0x31: {  	[sflag:s29] =	ssyncadd.s32 @!p0 $0xFFFFE000  }
0x32: {  	[spmem:s12] =	stream.linear.scatter @!p0 [tilespmem:s0], [sflag:$0x3], $0x2000, $0x38;
	[tilespmem:$0xB180] =	vst v63  }
0x33: {  	_ =	swait.ge @!p0 [sflag:s29], $0x2000  }
0x34: {  	[sflag:s29] =	ssyncset.done @!p0 $0x0  }
0x35: {  	[sflag:s29] =	ssyncadd.s32 @!p0 $0xFFFFE000  }
0x36: {  	[spmem:s13] =	stream.linear.scatter @!p0 [tilespmem:s0], [sflag:$0x3], $0x2000, $0x38;
	[tilespmem:$0xB180] =	vst v63  }
0x37: {  	_ =	swait.ge @!p0 [sflag:s29], $0x2000  }
0x38: {  	[sflag:s29] =	ssyncset.done @!p0 $0x0  }
0x39: {  	[sflag:s29] =	ssyncadd.s32 @!p0 $0xFFFFE000  }
0x3a: {  	[spmem:s14] =	stream.linear.scatter @!p0 [tilespmem:s0], [sflag:$0x3], $0x2000, $0x38;
	[tilespmem:$0xB180] =	vst v63  }
0x3b: {  	_ =	swait.ge @!p0 [sflag:s29], $0x2000  }
0x3c: {  	[sflag:s29] =	ssyncset.done @!p0 $0x0  }
0x3d: {  	[sflag:s29] =	ssyncadd.s32 @!p0 $0xFFFFE000  }
0x3e: {  	[spmem:s15] =	stream.linear.scatter @!p0 [tilespmem:s0], [sflag:$0x3], $0x2000, $0x38;
	[tilespmem:$0xB180] =	vst v63  }
0x3f: {  	_ =	swait.ge @!p0 [sflag:s29], $0x2000  }
0x40: {  	[sflag:s29] =	ssyncset.done @!p0 $0x0  }
0x41: {  	[sflag:s29] =	ssyncadd.s32 @!p0 $0xFFFFE000  }
0x42: {  	s30 =	simm.s32 $0x0;
	s29 =	simm.s32 $0x0;
	[bflag:$0x0] =	sbarrier.arrive $0xFFFF  }
.LBB2_4:
0x43: {  	s0 =	sshll.u32 s30, $0xC  }
0x44: {  	s0 =	sor.u32 s16, s0  }
0x45: {  	s0 =	sshrl.u32 s0, $0x3  }
0x46: {  	s31 =	sadd.s32 s6, s0  }
0x47: {  	[tilespmem:s29], [sflag:$0x3] =	stream.linear.gather [hbm4b:s31+s29], $0x80, $0x38;
	[tilespmem:$0xB180] =	vst v63  }
0x48: {  	_ =	swait.ge [sflag:s20], $0x80  }
0x49: {  	[sflag:s20] =	ssyncset.done $0x0  }
0x4a: {  	s31 =	sadd.s32 s8, s0;
	[sflag:s20] =	ssyncadd.s32 $0xFFFFFF80  }
0x4b: {  	[tilespmem:s21], [sflag:$0x3] =	stream.linear.gather [hbm4b:s31+s29], $0x80, $0x38;
	[tilespmem:$0xB180] =	vst v63  }
0x4c: {  	_ =	swait.ge [sflag:s20], $0x80  }
0x4d: {  	[sflag:s20] =	ssyncset.done $0x0  }
0x4e: {  	s0 =	sadd.s32 s1, s0;
	[sflag:s20] =	ssyncadd.s32 $0xFFFFFF80  }
0x4f: {  	[tilespmem:s22], [sflag:$0x3] =	stream.linear.gather [hbm4b:s0+s29], $0x80, $0x38;
	[tilespmem:$0xB180] =	vst v63  }
0x50: {  	_ =	swait.ge [sflag:s20], $0x80  }
0x51: {  	[sflag:s20] =	ssyncset.done $0x0  }
0x52: {  	[sflag:s20] =	ssyncadd.s32 $0xFFFFFF80  }
0x53: {  	[tilespmem:s23], [sflag:$0x1] =	stream.indirect.gather [hbm4b:s5+s21], $0x80, s29, s21, $0xb8;
	[tilespmem:$0xB180] =	vst v63  }
0x54: {  	_ = 	snop  }
0x55: {  	[tilespmem:s24], [sflag:$0x2] =	stream.indirect.gather [hbm4b:s2+s21], $0x80, s21, s21, $0xb8;
	[tilespmem:$0xB180] =	vst v63  }
0x56: {  	_ =	swait.ge [sflag:s26], $0x4000  }
0x57: {  	[sflag:s26] =	ssyncset.done $0x0  }
0x58: {  	[sflag:s26] =	ssyncadd.s32 $0xFFFFC000  }
0x59: {  	_ =	swait.ge [sflag:s28], $0x4000  }
0x5a: {  	[sflag:s28] =	ssyncset.done $0x0  }
0x5b: {  	s31 =	simm.s32 $0x0;
	[sflag:s28] =	ssyncadd.s32 $0xFFFFC000  }
0x5c: {  	v8 =	vld [tilespmem:s31+$0x4180]  }
0x5d: {  	v12 =	vld [tilespmem:s31+$0x4190]  }
0x5e: {  	v6 =	vld [tilespmem:s31+$0x41A0]  }
0x5f: {  	v5 =	vld [tilespmem:s31+$0x41B0]  }
0x60: {  	v4 =	vld [tilespmem:s31+$0x41C0]  }
0x61: {  	v3 =	vld [tilespmem:s31+$0x41D0]  }
0x62: {  	v2 =	vld [tilespmem:s31+$0x41E0]  }
0x63: {  	v1 =	vld [tilespmem:s31+$0x41F0]  }
0x64: {  	v13 =	vld [tilespmem:s31+$0x180]  }
0x65: {  	v14 =	vld [tilespmem:s31+$0x190]  }
0x66: {  	v11 =	vld [tilespmem:s31+$0x1A0]  }
0x67: {  	v10 =	vld [tilespmem:s31+$0x1B0]  }
0x68: {  	v9 =	vld [tilespmem:s31+$0x1C0]  }
0x69: {  	v7 =	vld [tilespmem:s31+$0x1D0];
	v13 =	vmul.f32 v8, v13  }
0x6a: {  	s0 =	simm.s32 $0x200;
	v12 =	vmul.f32 v12, v14;
	v8 =	vld [tilespmem:s31+$0x1E0]  }
.LBB2_5:
0x6b: {  	s7 =	sshra.s32 s0, $0x2;
	p1 =	sne.s32 s0, $0xFE00;
	[tilespmem:s31+$0x180] =	vst v13;
	v6 =	vmul.f32 v6, v11;
	v11 =	vld [tilespmem:s31+$0x1F0]  }
0x6c: {  	v13 =	vld [tilespmem:s7+$0x4180];
	[tilespmem:s31+$0x190] =	vst v12;
	v5 =	vmul.f32 v5, v10  }
0x6d: {  	v12 =	vld [tilespmem:s7+$0x4190];
	[tilespmem:s31+$0x1A0] =	vst v6;
	v4 =	vmul.f32 v4, v9  }
0x6e: {  	v6 =	vld [tilespmem:s7+$0x41A0];
	[tilespmem:s31+$0x1B0] =	vst v5;
	v3 =	vmul.f32 v3, v7  }
0x6f: {  	v5 =	vld [tilespmem:s7+$0x41B0];
	[tilespmem:s31+$0x1C0] =	vst v4;
	v2 =	vmul.f32 v2, v8  }
0x70: {  	v4 =	vld [tilespmem:s7+$0x41C0];
	[tilespmem:s31+$0x1D0] =	vst v3;
	v1 =	vmul.f32 v1, v11  }
0x71: {  	v3 =	vld [tilespmem:s7+$0x41D0];
	[tilespmem:s31+$0x1E0] =	vst v2  }
0x72: {  	v2 =	vld [tilespmem:s7+$0x41E0];
	[tilespmem:s31+$0x1F0] =	vst v1;
	s31 =	smov.u32 s7  }
0x73: {  	v1 =	vld [tilespmem:s31+$0x41F0]  }
0x74: {  	v7 =	vld [tilespmem:s31+$0x180]  }
0x75: {  	v8 =	vld [tilespmem:s31+$0x190]  }
.Ltmp1:
0x76: {  	v11 =	vld [tilespmem:s31+$0x1A0];
	(pc) =	sbr.rel @p1 .LBB2_5-.Ltmp1, $4  }
0x77: {  	v10 =	vld [tilespmem:s31+$0x1B0]  }
0x78: {  	v9 =	vld [tilespmem:s31+$0x1C0]  }
0x79: {  	v13 =	vmul.f32 v13, v7;
	v7 =	vld [tilespmem:s31+$0x1D0]  }
0x7a: {  	s0 =	sadd.s32 $0x200, s0;
	v12 =	vmul.f32 v12, v8;
	v8 =	vld [tilespmem:s31+$0x1E0]  }
0x7b: {  	[tilespmem:s31+$0x180] =	vst v13;
	v6 =	vmul.f32 v6, v11;
	v63 =	vld [tilespmem:s31+$0x1F0]  }
0x7c: {  	[tilespmem:s31+$0x190] =	vst v12;
	v5 =	vmul.f32 v5, v10  }
0x7d: {  	[tilespmem:s31+$0x1A0] =	vst v6;
	v4 =	vmul.f32 v4, v9  }
0x7e: {  	[tilespmem:s31+$0x1B0] =	vst v5;
	v3 =	vmul.f32 v3, v7  }
0x7f: {  	[tilespmem:s31+$0x1C0] =	vst v4;
	v2 =	vmul.f32 v2, v8  }
0x80: {  	s30 =	sadd.s32 $0x1, s30;
	[tilespmem:s31+$0x1D0] =	vst v3;
	v1 =	vmul.f32 v1, v63  }
0x81: {  	p1 =	sne.s32 s30, s18;
	[tilespmem:s31+$0x1E0] =	vst v2  }
.Ltmp2:
0x82: {  	[tilespmem:s31+$0x1F0] =	vst v1;
	(pc) =	sbr.rel @p1 .LBB2_4-.Ltmp2, $4  }
0x83: {  	[spmem:s3] =	stream.indirect.scatter.add.f32 [tilespmem:s23], [sflag:$0x3], $0x80, s22, s21, $0xb8;
	[tilespmem:$0xB180] =	vst v63  }
0x84: {  	_ =	swait.ge [sflag:s20], $0x4000  }
0x85: {  	[sflag:s20] =	ssyncset.done $0x0  }
0x86: {  	[sflag:s20] =	ssyncadd.s32 $0xFFFFC000  }
0x87: {  	s0 =	stileid.u32;
	s4 =	sadd.s32 $0x1, s4  }
0x88: {  	s0 =	sshll.u32 s0, $0x6;
	p1 =	sne.s32 s4, s19  }
.Ltmp3:
0x89: {  	[bflag:$0x0] =	sbarrier.arrive $0xFFFF;
	s0 =	sor.u32 $0x1C03, s0;
	(pc) =	sbr.rel @p1 .LBB2_1-.Ltmp3, $4  }
0x8a: {  	[hbm:s17], [sflag:s0] =	dma.local [spmem:s25], $0x200  }
0x8b: {  	_ =	swait.ge [sflag:s20], $0x200  }
0x8c: {  	[sflag:s20] =	ssyncset.done $0x0  }
0x8d: {  	[sflag:s20] =	ssyncadd.s32 $0xFFFFFE00  }
0x8e: {  	_ =	sfence.sel $0x180000  }
0x8f: {  	[bflag:$0x0] =	sbarrier.arrive $0xFFFF  }
0x90: {  	_ =	strace $0x9000004A  }
0x91: {  	[bflag:$0x2] =	sbarrier.arrive $0xFFFF  }
0x92: {  	s0 =	rddreg [dreg:$0x3]  }
0x93: {  	s0 =	sadd.s32 @!p0 $0x100000, s0  }
0x94: {  	[sflag:s0] =	ssyncadd.tile.s32 @!p0 $0x1;
	_ =	shalt  }
.Lfunc_end2:
_tile_overlayer_lowered:
.L_overlay_start_2:
0x95: {  	(tag) =	ssettag $0x2  }
0x96: {  	s0 =	rddreg [dreg:$0x0];
	s2 =	stileid.u32  }
0x97: {  	s1 =	rddreg [dreg:$0x1];
	p0 =	sne.s32 s2, $0x0  }
0x98: {  	s3 =	rddreg [dreg:$0x2];
	[bflag:$0x3] =	sbarrier.arrive $0xFFFF;
	s2 =	simm.s32 @!p0 $0x1C03  }
0x99: {  	[timem:s3], [sflag:s2] =	dma.local @!p0 [hbm:s0], s1  }
0x9a: {  	s0 =	simm.s32 @!p0 $0x3  }
0x9b: {  	_ =	swait.ge @!p0 [sflag:s0], s1  }
0x9c: {  	s1 =	ssub.s32 @!p0 $0x0, s1;
	[sflag:s0] =	ssyncset.done @!p0 $0x0  }
0x9d: {  	[sflag:s0] =	ssyncadd.s32 @!p0 s1  }
0x9e: {  	[bflag:$0x3] =	sbarrier.arrive $0xFFFF  }
0x9f: {  	_ =	shalt  }

// kernel: scatter_offload_async_start
scs
__scs_entry_jumppad:
0x0: {  	(pc) =	sbr.rel $0x88, $3  }
0x1: {  	(tag) =	ssettag $0x0;
	lr =	simm.s32 $0x1  }
0x2: {  	[smem:$0x3F8F] =	sst lr;
	_ =	strace $0xD0000000  }
0x3: {  	_ = 	snop  }
0x4: {  	_ = 	snop  }
0x5: {  	_ = 	snop  }
0x6: {  	_ = 	snop  }
0x7: {  	_ = 	snop  }
__scs_overlays_trampoline_lowered:
0x8: {  	[smem:$0x3F9E] =	sst s0  }
0x9: {  	[smem:$0x3F9F] =	sst s1  }
0xa: {  	[smem:$0x3FA0] =	sst s2  }
0xb: {  	[smem:$0x3FA1] =	sst s3  }
0xc: {  	[smem:$0x3FA2] =	sst s4  }
0xd: {  	[smem:$0x3FA3] =	sst s5  }
0xe: {  	[smem:$0x3FA4] =	sst s6  }
0xf: {  	[smem:$0x3FA5] =	sst s7  }
0x10: {  	[smem:$0x3FA6] =	sst s8  }
0x11: {  	[smem:$0x3FA7] =	sst s9;
	s0 =	simm.s32 @!p0 $0x0  }
0x12: {  	s1 =	sld [smem:$0x3F8D];
	s0 =	simm.s32 @p0 $0x1  }
0x13: {  	[smem:$0x3FA8] =	sst s0;
	s0 =	simm.s32 @!p1 $0x0  }
0x14: {  	s2 =	sld [smem:$0x3F8C];
	s0 =	simm.s32 @p1 $0x1  }
0x15: {  	[smem:$0x3FA9] =	sst s0;
	s0 =	simm.s32 @!p2 $0x0  }
0x16: {  	s3 =	sld [smem:$0x3FDB];
	s0 =	simm.s32 @p2 $0x1  }
0x17: {  	s4 =	simm.s32 $0x1BF5;
	[smem:$0x3FAB] =	sst s0  }
0x18: {  	s0 =	sld [smem:$0x3F8E];
	_ =	swait.ge [sflag:s4], $0x0  }
0x19: {  	s7 =	sld [smem:$0x3F8F]  }
0x1a: {  	s8 =	sadd.s32 $0xFFFFE003, lr  }
0x1b: {  	s9 =	sadd.s32 $0xFFFFFEF7, lr;
	s5 =	simm.s32 $0xFFFFFFFF;
	p2 =	slt.u32 s8, $0xFFFFF086  }
0x1c: {  	p1 =	slt.u32 s9, $0xF7A;
	s5 =	simm.s32 @!p2 $0x0  }
0x1d: {  	s5 =	simm.s32 @p1 $0x1;
	p0 =	seq.s32 s7, s2  }
0x1e: {  	s7 =	smul.u32 @!p0 $0xF7A, s2;
	p2 =	seq.s32 @!p0 s5, $0x0  }
0x1f: {  	s9 =	smul.u32 $0xF7A, s1;
	s8 =	simm.s32 @!p0 $0x1BF5;
	p2 =	por !p2, p0  }
0x20: {  	[sflag:s8] =	ssyncset.s32 @!p0 $0xFFFFF086;
	s6 =	sadd.s32 @!p0 s3, s7;
	s7 =	simm.s32 @!p0 $0x108  }
0x21: {  	s3 =	sadd.s32 s3, s9;
	s6 =	sadd.s32 @!p0 $0x88, s6;
	s7 =	simm.s32 @p2 $0x1082  }
0x22: {  	[simem:s7], [sflag:s8] =	dma.local @!p0 [hbm:s6], $0xF7A  }
0x23: {  	s9 =	sor.u32 $0xD0000000, s2;
	s6 =	simm.s32 $0x108;
	_ =	swait.ge @!p0 [sflag:s8], $0x0  }
0x24: {  	s3 =	sadd.s32 $0x88, s3;
	s6 =	simm.s32 @!p1 $0x1082;
	[sflag:s4] =	ssyncset.s32 $0xFFFFF086  }
0x25: {  	[simem:s6], [sflag:s4] =	dma.local [hbm:s3], $0xF7A  }
0x26: {  	[smem:$0x3F8F] =	sst s1;
	(tag) =	ssettag s2;
	_ =	strace s9  }
0x27: {  	s1 =	sld [smem:$0x3F9F]  }
0x28: {  	s2 =	sld [smem:$0x3FA0]  }
0x29: {  	s4 =	sld [smem:$0x3FA2]  }
0x2a: {  	p0 =	seq.s32 s5, $0x0;
	s5 =	sld [smem:$0x3FA3]  }
0x2b: {  	s6 =	sld [smem:$0x3FA4]  }
0x2c: {  	s7 =	sld [smem:$0x3FA5]  }
0x2d: {  	s3 =	simm.s32 $0x108;
	s8 =	sld [smem:$0x3FA6]  }
0x2e: {  	s3 =	simm.s32 @!p0 $0x1082;
	s9 =	sld [smem:$0x3FA7]  }
0x2f: {  	lr =	sadd.s32 s0, s3;
	s0 =	sld [smem:$0x3F9E]  }
0x30: {  	s3 =	sld [smem:$0x3FA1]  }
0x31: {  	[smem:$0x3FAA] =	sst s10  }
0x32: {  	s10 =	sld [smem:$0x3FA8];
	_ =	sdelay $0x3  }
0x33: {  	p0 =	seq.s32 s10, $0x1;
	s10 =	sld [smem:$0x3FAA];
	_ =	sdelay $0x3  }
0x34: {  	[smem:$0x3FAA] =	sst s10  }
0x35: {  	s10 =	sld [smem:$0x3FA9];
	_ =	sdelay $0x3  }
0x36: {  	p1 =	seq.s32 s10, $0x1;
	s10 =	sld [smem:$0x3FAA];
	_ =	sdelay $0x3  }
0x37: {  	[smem:$0x3FAA] =	sst s10  }
0x38: {  	s10 =	sld [smem:$0x3FAB]  }
0x39: {  	_ = 	snop;
	(pc) =	sbr.ind lr, $3  }
0x3a: {  	_ = 	snop  }
0x3b: {  	_ = 	snop  }
0x3c: {  	p2 =	seq.s32 s10, $0x1;
	s10 =	sld [smem:$0x3FAA]  }
0x3d: {  	_ =	shalt  }
0x3e: {  	_ =	shalt  }
0x3f: {  	_ =	shalt  }
0x40: {  	_ =	shalt  }
0x41: {  	_ =	shalt  }
0x42: {  	_ =	shalt  }
0x43: {  	_ =	shalt  }
0x44: {  	_ =	shalt  }
0x45: {  	_ =	shalt  }
0x46: {  	_ =	shalt  }
0x47: {  	_ =	shalt  }
0x48: {  	_ =	shalt  }
0x49: {  	_ =	shalt  }
0x4a: {  	_ =	shalt  }
0x4b: {  	_ =	shalt  }
0x4c: {  	_ =	shalt  }
0x4d: {  	_ =	shalt  }
0x4e: {  	_ =	shalt  }
0x4f: {  	_ =	shalt  }
0x50: {  	_ =	shalt  }
0x51: {  	_ =	shalt  }
0x52: {  	_ =	shalt  }
0x53: {  	_ =	shalt  }
0x54: {  	_ =	shalt  }
0x55: {  	_ =	shalt  }
0x56: {  	_ =	shalt  }
0x57: {  	_ =	shalt  }
0x58: {  	_ =	shalt  }
0x59: {  	_ =	shalt  }
0x5a: {  	_ =	shalt  }
0x5b: {  	_ =	shalt  }
0x5c: {  	_ =	shalt  }
0x5d: {  	_ =	shalt  }
0x5e: {  	_ =	shalt  }
0x5f: {  	_ =	shalt  }
0x60: {  	_ =	shalt  }
0x61: {  	_ =	shalt  }
0x62: {  	_ =	shalt  }
0x63: {  	_ =	shalt  }
0x64: {  	_ =	shalt  }
0x65: {  	_ =	shalt  }
0x66: {  	_ =	shalt  }
0x67: {  	_ =	shalt  }
0x68: {  	_ =	shalt  }
0x69: {  	_ =	shalt  }
0x6a: {  	_ =	shalt  }
0x6b: {  	_ =	shalt  }
0x6c: {  	_ =	shalt  }
0x6d: {  	_ =	shalt  }
0x6e: {  	_ =	shalt  }
0x6f: {  	_ =	shalt  }
0x70: {  	_ =	shalt  }
0x71: {  	_ =	shalt  }
0x72: {  	_ =	shalt  }
0x73: {  	_ =	shalt  }
0x74: {  	_ =	shalt  }
0x75: {  	_ =	shalt  }
0x76: {  	_ =	shalt  }
0x77: {  	_ =	shalt  }
0x78: {  	_ =	shalt  }
0x79: {  	_ =	shalt  }
0x7a: {  	_ =	shalt  }
0x7b: {  	_ =	shalt  }
0x7c: {  	_ =	shalt  }
0x7d: {  	_ =	shalt  }
0x7e: {  	_ =	shalt  }
0x7f: {  	_ =	shalt  }
0x80: {  	_ =	shalt  }
0x81: {  	_ =	shalt  }
0x82: {  	_ =	shalt  }
0x83: {  	_ =	shalt  }
0x84: {  	_ =	shalt  }
0x85: {  	_ =	shalt  }
0x86: {  	_ =	shalt  }
0x87: {  	_ =	shalt  }
.Lfunc_end0:
.L_simem_size_0:
called_computation_lowered:
.L_overlay_start_0:
0x88: {  	s0 =	sld [smem:$0x3FD9]  }
0x89: {  	s1 =	sld [smem:$0x3FFE];
	_ =	sdelay $0x3  }
0x8a: {  	s0 =	sadd.s32 s1, s0  }
0x8b: {  	[smem:$0x3FB6] =	sst s0  }
0x8c: {  	_ = 	snop  }
0x8d: {  	(tm) =	ssettm $0x1  }
0x8e: {  	s15 =	sld [smem:$0x3FFB];
	_ =	sdelay $0x3  }
0x8f: {  	_ =	strace s15  }
0x90: {  	s0 =	sld [smem:$0x3FFC];
	_ =	sdelay $0x3  }
0x91: {  	_ =	strace s0  }
0x92: {  	s0 =	sld [smem:$0x3FFD];
	_ =	sdelay $0x3  }
0x93: {  	_ =	strace s0  }
0x94: {  	_ =	strace $0x8FFFFFFF  }
0x95: {  	s16 =	sld [smem:$0x3FDB];
	_ =	sdelay $0x1  }
0x96: {  	s17 =	simm.s32 $_scs_section_size  }
0x97: {  	s2 =	simm.s32 $_size__tile_overlayer_lowered;
	s3 =	simm.s32 $_tile_overlayer_lowered  }
0x98: {  	s20 =	simm.s32 $0x1BFF;
	s19 =	sshll.u32 s3, $0x1;
	s0 =	sadd.s32 s17, s16  }
0x99: {  	s4 =	simm.s32 $0x0;
	s18 =	sshll.u32 s2, $0x1;
	s2 =	sadd.s32 s19, s0  }
0x9a: {  	[timem:s4], [sflag:s20] =	dma.local [hbm:s2], s18  }
0x9b: {  	_ =	swait.ge [sflag:s20], s18  }
0x9c: {  	s1 =	ssub.s32 $0x0, s18;
	[sflag:s20] =	ssyncset.done $0x0  }
0x9d: {  	[sflag:s20] =	ssyncadd.s32 s1;
	_ =	sdelay $0x1  }
0x9e: {  	s21 =	simm.s32 $0x1B8B  }
0x9f: {  	_ =	swait.ge [sflag:s21], $0x1  }
0xa0: {  	[sflag:s21] =	ssyncset.done $0x0  }
0xa1: {  	s23 =	simm.s32 $0x1B8E;
	s22 =	sld [smem:$0x3FFE];
	[sflag:s21] =	ssyncadd.s32 $0xFFFFFFFF  }
0xa2: {  	s24 =	simm.s32 $execute0_lowered;
	[smem:$0x3FD2] =	sst s23  }
0xa3: {  	s2 =	sshll.u32 s24, $0x1;
	_ =	strace $0x80000046;
	[dreg:$0x1] =	wrdreg $0xFFFFFFFF  }
0xa4: {  	s25 =	simm.s32 $_size_execute0_lowered;
	s0 =	sadd.s32 s0, s2;
	[dreg:$0x0] =	wrdreg $0x0  }
0xa5: {  	s2 =	sshll.u32 s25, $0x1;
	[dreg:$0x2] =	wrdreg s0  }
0xa6: {  	[dreg:$0x3] =	wrdreg s2  }
0xa7: {  	[dreg:$0x4] =	wrdreg $0xC0  }
0xa8: {  	_ =	task [dreg:s4], $0x5FFFF  }
0xa9: {  	[dreg:$0x1] =	wrdreg $0xFFFFFFFF  }
0xaa: {  	[dreg:$0x0] =	wrdreg $0x60  }
0xab: {  	[dreg:$0x2] =	wrdreg s22  }
0xac: {  	[dreg:$0x3] =	wrdreg $0x9  }
0xad: {  	_ =	task.clear_ibuf [dreg:s4], $0x4FFFF;
	_ =	strace $0x90000046  }
0xae: {  	s26 =	simm.s32 $0x9;
	_ =	strace $0x80000048  }
0xaf: {  	_ =	swait.ge [sflag:s26], $0x1  }
0xb0: {  	[sflag:s26] =	ssyncadd.s32 $0xFFFFFFFF  }
0xb1: {  	_ =	strace $0x90000048  }
0xb2: {  	_ =	sfence  }
0xb3: {  	s28 =	sld [smem:$0x0];
	_ =	sdelay $0x1  }
0xb4: {  	s29 =	srdreg.scid  }
0xb5: {  	s30 =	sshll.u32 s29, $0xD;
	s31 =	sshrl.u32 s29, $0x2  }
0xb6: {  	s1 =	sand.u32 $0x1, s29;
	s2 =	sand.u32 $0x4000, s30;
	s0 =	sadd.s32 s31, s28  }
0xb7: {  	s1 =	sor.u32 s2, s1;
	s0 =	sshll.u32 s0, $0x11  }
0xb8: {  	s0 =	sor.u32 s0, s1  }
0xb9: {  	s0 =	sadd.s32 $0x8F2B, s0  }
0xba: {  	[sflag:s0] =	ssyncadd.remote.s32 $0x1  }
0xbb: {  	_ =	sfence.sel $0xFFFF  }
0xbc: {  	[dreg:$0x0] =	wrdreg $0xFFFFFFFF;
	(pc) =	sbr.abs _section_cstart, $3  }
0xbd: {  	[dreg:$0x1] =	wrdreg $0xFFFFFFFF  }
0xbe: {  	_ =	task.clear_ibuf [dreg:s4], $0x2FFFF;
	_ =	strace $0x9FFFFFFF  }
0xbf: {  	(tm) =	ssettm $0x7FFFFFFF  }
tec
execute0_lowered:
.L_overlay_start_1:
0x0: {  	(tag) =	ssettag $0x1  }
0x1: {  	s1 =	rddreg [dreg:$0x0]  }
0x2: {  	s0 =	rddreg [dreg:$0x1];
	_ =	strace $0x80000047;
	s2 =	stileid.u32  }
0x3: {  	s4 =	simm.s32 $0x3E;
	s3 =	sadd.s32 $0x4200, s1;
	p0 =	sne.s32 s2, $0x0  }
0x4: {  	[sflag:s4] =	ssyncpa.u1 $0x0;
	s5 =	simm.s32 @!p0 $0x1C3E;
	s6 =	simm.s32 @!p0 $0x0  }
0x5: {  	[spmem:s6], [sflag:s5] =	dma.local @!p0 [hbm:s3], $0x4000  }
0x6: {  	s5 =	simm.s32 @!p0 $0x3E  }
0x7: {  	_ =	swait.ge @!p0 [sflag:s5], $0x4000  }
0x8: {  	[sflag:s5] =	ssyncset.done @!p0 $0x0  }
0x9: {  	s25 =	simm.s32 $0x1;
	[sflag:s5] =	ssyncadd.s32 @!p0 $0xFFFFC000  }
0xa: {  	s7 =	simm.s32 $0x2;
	s8 =	simm.s32 $0x0;
	[bflag:$0x0] =	sbarrier.arrive $0xFFFF  }
0xb: {  	s9 =	simm.s32 $0x2020;
	s26 =	sadd.s32 $0x1FF400, s1;
	[sflag:s4] =	ssyncpa.u1 $0x1  }
0xc: {  	s1 =	sadd.s32 $0x8200, s1;
	s2 =	sshll.u32 s2, $0x2;
	[sflag:s25] =	ssyncpa.u1 $0x0  }
0xd: {  	s5 =	sadd.s32 s26, s2;
	(ifvalue) =	ssetifvalue $0x20000;
	[sflag:s7] =	ssyncpa.u1 $0x0  }
0xe: {  	[tilespmem:s9], [sflag:$0x2] =	stream.linear.gather [hbm4b:s5+s8], $0x20, $0x38;
	[tilespmem:$0x2080] =	vst v63  }
0xf: {  	s28 =	simm.s32 $0x2060;
	s1 =	sadd.s32 s1, s2  }
0x10: {  	[tilespmem:s28], [sflag:$0x2] =	stream.linear.gather [hbm4b:s1+s8], $0x20, $0x38;
	[tilespmem:$0x2080] =	vst v63  }
0x11: {  	_ =	swait.ge [sflag:s7], $0x40  }
0x12: {  	[sflag:s7] =	ssyncset.done $0x0  }
0x13: {  	[sflag:s7] =	ssyncadd.s32 $0xFFFFFFC0  }
0x14: {  	v0 =	vld.msk [tilespmem:s9+$0x0 ss:$0x1], $0xffff;
	_ =	sdelay $0x4  }
0x15: {  	v0 =	vmin.u32 v0, $0x20000;
	_ =	sdelay $0x3  }
0x16: {  	vm0 =	vmmov $0xffff;
	s29 =	simm.s32 $0x2030  }
0x17: {  	[spmem:s8] =	stream.indirect_vreg.scatter.add.s32 [tilespmem:s28], [sflag:$0x1], $0x1, v0, vm0, $0x4038;
	[tilespmem:$0x2080] =	vst v63  }
0x18: {  	v0 =	vld.msk [tilespmem:s29+$0x0 ss:$0x1], $0xffff;
	_ =	sdelay $0x4  }
0x19: {  	v0 =	vmin.u32 v0, $0x20000;
	_ =	sdelay $0x3  }
0x1a: {  	s30 =	simm.s32 $0x2070  }
0x1b: {  	[spmem:s8] =	stream.indirect_vreg.scatter.add.s32 [tilespmem:s30], [sflag:$0x1], $0x1, v0, vm0, $0x4038;
	[tilespmem:$0x2080] =	vst v63  }
0x1c: {  	_ =	swait.ge [sflag:s25], $0x20  }
0x1d: {  	[sflag:s25] =	ssyncset.done $0x0  }
0x1e: {  	[sflag:s25] =	ssyncadd.s32 $0xFFFFFFE0  }
0x1f: {  	_ =	sfence.sel $0x180000  }
0x20: {  	[bflag:$0x0] =	sbarrier.arrive $0xFFFF  }
0x21: {  	[sflag:s7] =	ssyncpa.u1 $0x1  }
0x22: {  	[sflag:s25] =	ssyncpa.u1 $0x1  }
0x23: {  	_ =	sfence.stream.spmem  }
0x24: {  	s31 =	simm.s32 $0x3D;
	[bflag:$0x0] =	sbarrier.arrive $0xFFFF  }
0x25: {  	s1 =	simm.s32 @p0 $0x3D;
	[sflag:s31] =	ssyncpa.u1 $0x0  }
0x26: {  	[sflag:s1] =	ssyncpa.u1 @p0 $0x1  }
0x27: {  	[bflag:$0x0] =	sbarrier.arrive @p0 $0xFFFF  }
0x28: {  	_ =	strace @p0 $0x90000047  }
0x29: {  	s1 =	simm.s32 @!p0 $0x1C3D;
	[bflag:$0x2] =	sbarrier.arrive @p0 $0xFFFF  }
0x2a: {  	[hbm:s3], [sflag:s1] =	dma.local @!p0 [spmem:s6], $0x4000  }
0x2b: {  	s1 =	simm.s32 @!p0 $0x3D  }
0x2c: {  	_ =	swait.ge @!p0 [sflag:s1], $0x4000  }
0x2d: {  	[sflag:s1] =	ssyncset.done @!p0 $0x0  }
0x2e: {  	[sflag:s1] =	ssyncadd.s32 @!p0 $0xFFFFC000  }
0x2f: {  	[sflag:s1] =	ssyncpa.u1 @!p0 $0x1  }
0x30: {  	[bflag:$0x0] =	sbarrier.arrive @!p0 $0xFFFF  }
0x31: {  	_ =	strace @!p0 $0x90000047  }
0x32: {  	s0 =	sadd.s32 @!p0 $0x100000, s0;
	[bflag:$0x2] =	sbarrier.arrive @!p0 $0xFFFF  }
0x33: {  	[sflag:s0] =	ssyncadd.tile.s32 @!p0 $0x1;
	_ =	shalt  }
.Lfunc_end2:
_tile_overlayer_lowered:
.L_overlay_start_2:
0x34: {  	(tag) =	ssettag $0x2  }
0x35: {  	s0 =	rddreg [dreg:$0x0];
	s2 =	stileid.u32  }
0x36: {  	s1 =	rddreg [dreg:$0x1];
	p0 =	sne.s32 s2, $0x0  }
0x37: {  	s3 =	rddreg [dreg:$0x2];
	[bflag:$0x3] =	sbarrier.arrive $0xFFFF;
	s2 =	simm.s32 @!p0 $0x1C01  }
0x38: {  	[timem:s3], [sflag:s2] =	dma.local @!p0 [hbm:s0], s1  }
0x39: {  	s0 =	simm.s32 @!p0 $0x1  }
0x3a: {  	_ =	swait.ge @!p0 [sflag:s0], s1  }
0x3b: {  	s1 =	ssub.s32 @!p0 $0x0, s1;
	[sflag:s0] =	ssyncset.done @!p0 $0x0  }
0x3c: {  	[sflag:s0] =	ssyncadd.s32 @!p0 s1  }
0x3d: {  	[bflag:$0x3] =	sbarrier.arrive $0xFFFF  }
0x3e: {  	_ =	shalt  }

</sc_bundles>
